<compile_context>
chip_gen: v7x
topology: tpu7x:2x2x1
jax: 0.10.2.dev20260603
libtpu: 0.0.44.dev20260713+nightly
codegen_flags: <defaults>
</compile_context>

<pallas_src>
import functools

import jax
import jax.numpy as jnp
from jax import lax
from jax.experimental import pallas as pl
from jax.experimental.pallas import tpu as pltpu
from jax.experimental.pallas import tpu_sc as plsc

_GROUP = 128
_JS_PER_CHUNK = 10
_EMBP = 64


@functools.lru_cache(maxsize=None)
def _make_gather(batch: int, enc: int, vocab: int):
    info = plsc.get_sparse_core_info()
    nw = info.num_cores * info.num_subcores
    assert batch % (nw * _GROUP) == 0 and enc % _JS_PER_CHUNK == 0
    chunks = enc // _JS_PER_CHUNK
    chunk_rows = _GROUP * _JS_PER_CHUNK

    mesh = plsc.VectorSubcoreMesh(core_axis_name="c", subcore_axis_name="s")

    @functools.partial(
        pl.kernel,
        mesh=mesh,
        out_type=jax.ShapeDtypeStruct((batch * enc // 2, 2 * _EMBP), jnp.float32),
        scratch_types=[
            pltpu.VMEM((_JS_PER_CHUNK, _GROUP), jnp.int32),
            pltpu.VMEM((chunk_rows, _EMBP), jnp.float32),
            pltpu.SemaphoreType.DMA,
            pltpu.SemaphoreType.DMA,
        ],
        compiler_params=pltpu.CompilerParams(use_tc_tiling_on_sc=False),
    )
    def gather_k(table_hbm, idx_hbm, out_hbm, idx_v, rows_v, gsem, osem):
        cid = lax.axis_index("c")
        sid = lax.axis_index("s")
        wid = sid * info.num_cores + cid
        b0 = wid * _GROUP

        def chunk_body(c, carry):
            j0 = c * _JS_PER_CHUNK
            pltpu.sync_copy(
                idx_hbm.at[pl.ds(j0, _JS_PER_CHUNK), pl.ds(b0, _GROUP)], idx_v
            )
            handles = []
            for j in range(_JS_PER_CHUNK):
                handles.append(
                    pltpu.async_copy(
                        table_hbm.at[idx_v.at[j]],
                        rows_v.at[pl.ds(j * _GROUP, _GROUP)],
                        gsem,
                    )
                )
            for h in handles:
                h.wait()
            writes = []
            for j in range(_JS_PER_CHUNK):
                p = (j0 + j) // 2
                h = (j0 + j) % 2
                writes.append(
                    pltpu.make_async_copy(
                        rows_v.at[pl.ds(j * _GROUP, _GROUP)],
                        out_hbm.at[
                            pl.ds(batch * p + b0, _GROUP),
                            pl.ds(h * _EMBP, _EMBP),
                        ],
                        osem,
                    )
                )
            for wcp in writes:
                wcp.start()
            for wcp in writes:
                wcp.wait()
            return carry

        lax.fori_loop(0, chunks, chunk_body, 0)

    return gather_k


def _pad_kernel(a1_ref, a2_ref, o_ref):
    bv = a1_ref.shape[0]
    emb = a1_ref.shape[1]
    z = jnp.zeros((bv, _EMBP - emb), jnp.float32)
    o_ref[...] = jnp.concatenate([a1_ref[...], z, a2_ref[...], z], axis=1)


def _tc_pad_table(table):
    vocab, emb = table.shape
    bv = 2000
    half_blocks = (vocab // 2) // bv
    return pl.pallas_call(
        _pad_kernel,
        grid=(half_blocks,),
        in_specs=[
            pl.BlockSpec((bv, emb), lambda c: (c, 0)),
            pl.BlockSpec((bv, emb), lambda c, hb=half_blocks: (c + hb, 0)),
        ],
        out_specs=pl.BlockSpec((bv, 2 * _EMBP), lambda c: (c, 0)),
        out_shape=jax.ShapeDtypeStruct((vocab // 2, 2 * _EMBP), jnp.float32),
    )(table, table)


def _matmul_kernel(a_ref, w_ref, b_ref, o_ref):
    p = pl.program_id(1)
    acc = lax.dot_general(
        a_ref[...].astype(jnp.bfloat16), w_ref[...].astype(jnp.bfloat16),
        dimension_numbers=(((1,), (1,)), ((), ())),
        preferred_element_type=jnp.float32,
    )

    @pl.when(p == 0)
    def _():
        o_ref[...] = jnp.broadcast_to(b_ref[...], o_ref.shape)

    o_ref[...] += acc


def _tc_matmul(gathered, Wp, b2, batch):
    out_dim = Wp.shape[0]
    npairs = Wp.shape[1] // (2 * _EMBP)
    bm = 4096
    nblocks = batch // bm
    return pl.pallas_call(
        _matmul_kernel,
        grid=(nblocks, npairs),
        in_specs=[
            pl.BlockSpec((bm, 2 * _EMBP), lambda i, p: (p * nblocks + i, 0)),
            pl.BlockSpec((out_dim, 2 * _EMBP), lambda i, p: (0, p)),
            pl.BlockSpec((1, out_dim), lambda i, p: (0, 0)),
        ],
        out_specs=pl.BlockSpec((bm, out_dim), lambda i, p: (i, 0)),
        out_shape=jax.ShapeDtypeStruct((batch, out_dim), jnp.float32),
    )(gathered, Wp, b2)


def kernel(x, table, W, b):
    batch, enc = x.shape
    vocab, emb = table.shape
    out_dim = W.shape[0]

    xt = x.T.astype(jnp.int32)
    idx = jnp.where(xt < vocab // 2, 2 * xt, 2 * xt - (vocab - 1))

    table_p = _tc_pad_table(table)
    gathered = _make_gather(batch, enc, vocab)(
        table_p.reshape(vocab, _EMBP), idx
    )

    Wp = jnp.pad(
        W.reshape(out_dim, enc, emb), ((0, 0), (0, 0), (0, _EMBP - emb))
    ).reshape(out_dim, enc * _EMBP)

    return _tc_matmul(gathered, Wp, b.reshape(1, out_dim), batch)

# --- scband reference (transcript-rebuilt; emitter-appended) ---
"""Pipeline reference for scband-neural-network-57672820851398 (READ-ONLY COPY).

The authoritative reference and input builder live on the scoring server;
editing this copy changes nothing except your own understanding.
"""

import jax, jax.numpy as jnp
import numpy as np

VOCAB = 100000
EMB = 50
ENC = 50
OUT = 128
BATCH = 4096

def setup_inputs(seed: int = 0) -> dict:
    key = jax.random.key(seed)
    k1, k2, k3, k4 = jax.random.split(key, 4)
    x = jax.random.randint(k1, (BATCH, ENC), 0, VOCAB, dtype=jnp.int64 if jax.config.jax_enable_x64 else jnp.int32)
    table = jax.random.normal(k2, (VOCAB, EMB), dtype=jnp.float32)
    W = jax.random.normal(k3, (OUT, ENC * EMB), dtype=jnp.float32) * (1.0 / np.sqrt(ENC * EMB))
    b = jax.random.normal(k4, (OUT,), dtype=jnp.float32) * 0.01
    return {"x": x, "table": table, "W": W, "b": b}

def reference(x, table, W, b):
    emb = jnp.take(table, x, axis=0)              # [B, ENC, EMB]
    flat = emb.reshape((emb.shape[0], -1))        # [B, ENC*EMB]
    out = flat @ W.T + b                          # [B, OUT]
    return out

if __name__ == "__main__":
    import jax
    _d = setup_inputs()
    print(jax.jit(kernel)(*tuple(_d.values())))

</pallas_src>

<mosaic_0001>
#map = affine_map<(d0, d1) -> (0, 0)>
module attributes {stable_mosaic.version = 14 : i64} {
  func.func @gather_k(%arg0: i32, %arg1: i32, %arg2: memref<100000x64xf32, #tpu.memory_space<hbm>>, %arg3: memref<50x4096xi32, #tpu.memory_space<hbm>>, %arg4: memref<102400x128xf32, #tpu.memory_space<hbm>>, %arg5: memref<10x128xi32, #tpu.memory_space<vmem>>, %arg6: memref<1280x64xf32, #tpu.memory_space<vmem>>, %arg7: memref<!tpu.dma_semaphore, #tpu.memory_space<semaphore_mem>>, %arg8: memref<!tpu.dma_semaphore, #tpu.memory_space<semaphore_mem>>) attributes {dimension_semantics = [#tpu.dimension_semantics<core_parallel>, #tpu.dimension_semantics<subcore_parallel>], iteration_bounds = array<i64: 2, 16>, scalar_prefetch = 0 : i64, scratch_operands = 4 : i64, tpu.core_type = #tpu.core_type<sc_vector_subcore>, window_params = [{transform_indices = #map}, {transform_indices = #map}, {transform_indices = #map}]} {
    %mul3A = arith.constant 2 : i32
    %mul3A_0 = arith.muli %arg1, %mul3A : i32
    %add3A = arith.addi %mul3A_0, %arg0 : i32
    %mul3A_1 = arith.constant 128 : i32
    %mul3A_2 = arith.muli %add3A, %mul3A_1 : i32
    %scan3A = arith.constant 0 : i32
    %scan3A_3 = arith.constant 0 : i32
    %scan3A_4 = arith.constant 5 : i32
    %scan3A_5 = arith.addi %scan3A_3, %scan3A_4 : i32
    %scan3A_6 = arith.constant 1 : i32
    scf.for %scan3A_8 = %scan3A_3 to %scan3A_5 step %scan3A_6  : i32 {
      %mul3A_9 = arith.constant 10 : i32
      %mul3A_10 = arith.muli %scan3A_8, %mul3A_9 : i32
      "tpu.region"() ({
        %run_scoped3A = tpu.sem_alloc : memref<!tpu.dma_semaphore, #tpu.memory_space<semaphore_mem>>
        %dma_start3A_849 = tpu.memref_slice %arg3[%mul3A_10, %mul3A_2] : memref<50x4096xi32, #tpu.memory_space<hbm>> -> memref<10x128xi32, #tpu.memory_space<hbm>>
        %dma_start3A_850 = tpu.memref_slice %arg3[%mul3A_10, %mul3A_2] : memref<50x4096xi32, #tpu.memory_space<hbm>> -> memref<10x128xi32, #tpu.memory_space<hbm>>
        tpu.enqueue_dma source(%dma_start3A_850 : memref<10x128xi32, #tpu.memory_space<hbm>>) target(%arg5 : memref<10x128xi32, #tpu.memory_space<vmem>>) target_semaphore(%run_scoped3A : memref<!tpu.dma_semaphore, #tpu.memory_space<semaphore_mem>>)
        %dma_wait3A_851 = tpu.memref_slice %arg3[%mul3A_10, %mul3A_2] : memref<50x4096xi32, #tpu.memory_space<hbm>> -> memref<10x128xi32, #tpu.memory_space<hbm>>
        %dma_wait3A_852 = tpu.memref_slice %arg3[%mul3A_10, %mul3A_2] : memref<50x4096xi32, #tpu.memory_space<hbm>> -> memref<10x128xi32, #tpu.memory_space<hbm>>
        tpu.wait_dma2 semaphore(%run_scoped3A : memref<!tpu.dma_semaphore, #tpu.memory_space<semaphore_mem>>) src(%dma_wait3A_852 : memref<10x128xi32, #tpu.memory_space<hbm>>) dst(%arg5 : memref<10x128xi32, #tpu.memory_space<vmem>>)
        tpu.yield
      }) : () -> ()
      %dma_start3A = arith.constant 0 : i32
      %dma_start3A_11 = arith.constant 0 : i32
      %dma_start3A_12 = arith.constant 0 : i32
      %dma_start3A_13 = tpu.memref_slice %arg6[%dma_start3A_11, %dma_start3A_12] : memref<1280x64xf32, #tpu.memory_space<vmem>> -> memref<128x64xf32, #tpu.memory_space<vmem>>
      %dma_start3A_14 = arith.constant 0 : i32
      %dma_start3A_15 = tpu.memref_slice %arg5[%dma_start3A, %dma_start3A_14] : memref<10x128xi32, #tpu.memory_space<vmem>> -> memref<1x128xi32, #tpu.memory_space<vmem>>
      %dma_start3A_16 = tpu.memref_squeeze %dma_start3A_15 : memref<1x128xi32, #tpu.memory_space<vmem>> -> memref<128xi32, #tpu.memory_space<vmem>>
      %dma_start3A_17 = arith.constant 0 : i32
      %dma_start3A_18 = arith.constant 0 : i32
      %dma_start3A_19 = tpu.memref_slice %arg2[%dma_start3A_17, %dma_start3A_18] : memref<100000x64xf32, #tpu.memory_space<hbm>> -> memref<100000x64xf32, #tpu.memory_space<hbm>>
      tpu.enqueue_indirect_dma source(%dma_start3A_19 : memref<100000x64xf32, #tpu.memory_space<hbm>>) target(%dma_start3A_13 : memref<128x64xf32, #tpu.memory_space<vmem>>) offsets(%dma_start3A_16 : memref<128xi32, #tpu.memory_space<vmem>>) semaphore(%arg7 : memref<!tpu.dma_semaphore, #tpu.memory_space<semaphore_mem>>)
      %dma_start3A_20 = arith.constant 1 : i32
      %dma_start3A_21 = arith.constant 128 : i32
      %dma_start3A_22 = arith.constant 0 : i32
      %dma_start3A_23 = tpu.memref_slice %arg6[%dma_start3A_21, %dma_start3A_22] : memref<1280x64xf32, #tpu.memory_space<vmem>> -> memref<128x64xf32, #tpu.memory_space<vmem>>
      %dma_start3A_24 = arith.constant 0 : i32
      %dma_start3A_25 = tpu.memref_slice %arg5[%dma_start3A_20, %dma_start3A_24] : memref<10x128xi32, #tpu.memory_space<vmem>> -> memref<1x128xi32, #tpu.memory_space<vmem>>
      %dma_start3A_26 = tpu.memref_squeeze %dma_start3A_25 : memref<1x128xi32, #tpu.memory_space<vmem>> -> memref<128xi32, #tpu.memory_space<vmem>>
      %dma_start3A_27 = arith.constant 0 : i32
      %dma_start3A_28 = arith.constant 0 : i32
      %dma_start3A_29 = tpu.memref_slice %arg2[%dma_start3A_27, %dma_start3A_28] : memref<100000x64xf32, #tpu.memory_space<hbm>> -> memref<100000x64xf32, #tpu.memory_space<hbm>>
      tpu.enqueue_indirect_dma source(%dma_start3A_29 : memref<100000x64xf32, #tpu.memory_space<hbm>>) target(%dma_start3A_23 : memref<128x64xf32, #tpu.memory_space<vmem>>) offsets(%dma_start3A_26 : memref<128xi32, #tpu.memory_space<vmem>>) semaphore(%arg7 : memref<!tpu.dma_semaphore, #tpu.memory_space<semaphore_mem>>)
      %dma_start3A_30 = arith.constant 2 : i32
      %dma_start3A_31 = arith.constant 256 : i32
      %dma_start3A_32 = arith.constant 0 : i32
      %dma_start3A_33 = tpu.memref_slice %arg6[%dma_start3A_31, %dma_start3A_32] : memref<1280x64xf32, #tpu.memory_space<vmem>> -> memref<128x64xf32, #tpu.memory_space<vmem>>
      %dma_start3A_34 = arith.constant 0 : i32
      %dma_start3A_35 = tpu.memref_slice %arg5[%dma_start3A_30, %dma_start3A_34] : memref<10x128xi32, #tpu.memory_space<vmem>> -> memref<1x128xi32, #tpu.memory_space<vmem>>
      %dma_start3A_36 = tpu.memref_squeeze %dma_start3A_35 : memref<1x128xi32, #tpu.memory_space<vmem>> -> memref<128xi32, #tpu.memory_space<vmem>>
      %dma_start3A_37 = arith.constant 0 : i32
      %dma_start3A_38 = arith.constant 0 : i32
      %dma_start3A_39 = tpu.memref_slice %arg2[%dma_start3A_37, %dma_start3A_38] : memref<100000x64xf32, #tpu.memory_space<hbm>> -> memref<100000x64xf32, #tpu.memory_space<hbm>>
      tpu.enqueue_indirect_dma source(%dma_start3A_39 : memref<100000x64xf32, #tpu.memory_space<hbm>>) target(%dma_start3A_33 : memref<128x64xf32, #tpu.memory_space<vmem>>) offsets(%dma_start3A_36 : memref<128xi32, #tpu.memory_space<vmem>>) semaphore(%arg7 : memref<!tpu.dma_semaphore, #tpu.memory_space<semaphore_mem>>)
      %dma_start3A_40 = arith.constant 3 : i32
      %dma_start3A_41 = arith.constant 384 : i32
      %dma_start3A_42 = arith.constant 0 : i32
      %dma_start3A_43 = tpu.memref_slice %arg6[%dma_start3A_41, %dma_start3A_42] : memref<1280x64xf32, #tpu.memory_space<vmem>> -> memref<128x64xf32, #tpu.memory_space<vmem>>
      %dma_start3A_44 = arith.constant 0 : i32
      %dma_start3A_45 = tpu.memref_slice %arg5[%dma_start3A_40, %dma_start3A_44] : memref<10x128xi32, #tpu.memory_space<vmem>> -> memref<1x128xi32, #tpu.memory_space<vmem>>
      %dma_start3A_46 = tpu.memref_squeeze %dma_start3A_45 : memref<1x128xi32, #tpu.memory_space<vmem>> -> memref<128xi32, #tpu.memory_space<vmem>>
      %dma_start3A_47 = arith.constant 0 : i32
      %dma_start3A_48 = arith.constant 0 : i32
      %dma_start3A_49 = tpu.memref_slice %arg2[%dma_start3A_47, %dma_start3A_48] : memref<100000x64xf32, #tpu.memory_space<hbm>> -> memref<100000x64xf32, #tpu.memory_space<hbm>>
      tpu.enqueue_indirect_dma source(%dma_start3A_49 : memref<100000x64xf32, #tpu.memory_space<hbm>>) target(%dma_start3A_43 : memref<128x64xf32, #tpu.memory_space<vmem>>) offsets(%dma_start3A_46 : memref<128xi32, #tpu.memory_space<vmem>>) semaphore(%arg7 : memref<!tpu.dma_semaphore, #tpu.memory_space<semaphore_mem>>)
      %dma_start3A_50 = arith.constant 4 : i32
      %dma_start3A_51 = arith.constant 512 : i32
      %dma_start3A_52 = arith.constant 0 : i32
      %dma_start3A_53 = tpu.memref_slice %arg6[%dma_start3A_51, %dma_start3A_52] : memref<1280x64xf32, #tpu.memory_space<vmem>> -> memref<128x64xf32, #tpu.memory_space<vmem>>
      %dma_start3A_54 = arith.constant 0 : i32
      %dma_start3A_55 = tpu.memref_slice %arg5[%dma_start3A_50, %dma_start3A_54] : memref<10x128xi32, #tpu.memory_space<vmem>> -> memref<1x128xi32, #tpu.memory_space<vmem>>
      %dma_start3A_56 = tpu.memref_squeeze %dma_start3A_55 : memref<1x128xi32, #tpu.memory_space<vmem>> -> memref<128xi32, #tpu.memory_space<vmem>>
      %dma_start3A_57 = arith.constant 0 : i32
      %dma_start3A_58 = arith.constant 0 : i32
      %dma_start3A_59 = tpu.memref_slice %arg2[%dma_start3A_57, %dma_start3A_58] : memref<100000x64xf32, #tpu.memory_space<hbm>> -> memref<100000x64xf32, #tpu.memory_space<hbm>>
      tpu.enqueue_indirect_dma source(%dma_start3A_59 : memref<100000x64xf32, #tpu.memory_space<hbm>>) target(%dma_start3A_53 : memref<128x64xf32, #tpu.memory_space<vmem>>) offsets(%dma_start3A_56 : memref<128xi32, #tpu.memory_space<vmem>>) semaphore(%arg7 : memref<!tpu.dma_semaphore, #tpu.memory_space<semaphore_mem>>)
      %dma_start3A_60 = arith.constant 5 : i32
      %dma_start3A_61 = arith.constant 640 : i32
      %dma_start3A_62 = arith.constant 0 : i32
      %dma_start3A_63 = tpu.memref_slice %arg6[%dma_start3A_61, %dma_start3A_62] : memref<1280x64xf32, #tpu.memory_space<vmem>> -> memref<128x64xf32, #tpu.memory_space<vmem>>
      %dma_start3A_64 = arith.constant 0 : i32
      %dma_start3A_65 = tpu.memref_slice %arg5[%dma_start3A_60, %dma_start3A_64] : memref<10x128xi32, #tpu.memory_space<vmem>> -> memref<1x128xi32, #tpu.memory_space<vmem>>
      %dma_start3A_66 = tpu.memref_squeeze %dma_start3A_65 : memref<1x128xi32, #tpu.memory_space<vmem>> -> memref<128xi32, #tpu.memory_space<vmem>>
      %dma_start3A_67 = arith.constant 0 : i32
      %dma_start3A_68 = arith.constant 0 : i32
      %dma_start3A_69 = tpu.memref_slice %arg2[%dma_start3A_67, %dma_start3A_68] : memref<100000x64xf32, #tpu.memory_space<hbm>> -> memref<100000x64xf32, #tpu.memory_space<hbm>>
      tpu.enqueue_indirect_dma source(%dma_start3A_69 : memref<100000x64xf32, #tpu.memory_space<hbm>>) target(%dma_start3A_63 : memref<128x64xf32, #tpu.memory_space<vmem>>) offsets(%dma_start3A_66 : memref<128xi32, #tpu.memory_space<vmem>>) semaphore(%arg7 : memref<!tpu.dma_semaphore, #tpu.memory_space<semaphore_mem>>)
      %dma_start3A_70 = arith.constant 6 : i32
      %dma_start3A_71 = arith.constant 768 : i32
      %dma_start3A_72 = arith.constant 0 : i32
      %dma_start3A_73 = tpu.memref_slice %arg6[%dma_start3A_71, %dma_start3A_72] : memref<1280x64xf32, #tpu.memory_space<vmem>> -> memref<128x64xf32, #tpu.memory_space<vmem>>
      %dma_start3A_74 = arith.constant 0 : i32
      %dma_start3A_75 = tpu.memref_slice %arg5[%dma_start3A_70, %dma_start3A_74] : memref<10x128xi32, #tpu.memory_space<vmem>> -> memref<1x128xi32, #tpu.memory_space<vmem>>
      %dma_start3A_76 = tpu.memref_squeeze %dma_start3A_75 : memref<1x128xi32, #tpu.memory_space<vmem>> -> memref<128xi32, #tpu.memory_space<vmem>>
      %dma_start3A_77 = arith.constant 0 : i32
      %dma_start3A_78 = arith.constant 0 : i32
      %dma_start3A_79 = tpu.memref_slice %arg2[%dma_start3A_77, %dma_start3A_78] : memref<100000x64xf32, #tpu.memory_space<hbm>> -> memref<100000x64xf32, #tpu.memory_space<hbm>>
      tpu.enqueue_indirect_dma source(%dma_start3A_79 : memref<100000x64xf32, #tpu.memory_space<hbm>>) target(%dma_start3A_73 : memref<128x64xf32, #tpu.memory_space<vmem>>) offsets(%dma_start3A_76 : memref<128xi32, #tpu.memory_space<vmem>>) semaphore(%arg7 : memref<!tpu.dma_semaphore, #tpu.memory_space<semaphore_mem>>)
      %dma_start3A_80 = arith.constant 7 : i32
      %dma_start3A_81 = arith.constant 896 : i32
      %dma_start3A_82 = arith.constant 0 : i32
      %dma_start3A_83 = tpu.memref_slice %arg6[%dma_start3A_81, %dma_start3A_82] : memref<1280x64xf32, #tpu.memory_space<vmem>> -> memref<128x64xf32, #tpu.memory_space<vmem>>
      %dma_start3A_84 = arith.constant 0 : i32
      %dma_start3A_85 = tpu.memref_slice %arg5[%dma_start3A_80, %dma_start3A_84] : memref<10x128xi32, #tpu.memory_space<vmem>> -> memref<1x128xi32, #tpu.memory_space<vmem>>
      %dma_start3A_86 = tpu.memref_squeeze %dma_start3A_85 : memref<1x128xi32, #tpu.memory_space<vmem>> -> memref<128xi32, #tpu.memory_space<vmem>>
      %dma_start3A_87 = arith.constant 0 : i32
      %dma_start3A_88 = arith.constant 0 : i32
      %dma_start3A_89 = tpu.memref_slice %arg2[%dma_start3A_87, %dma_start3A_88] : memref<100000x64xf32, #tpu.memory_space<hbm>> -> memref<100000x64xf32, #tpu.memory_space<hbm>>
      tpu.enqueue_indirect_dma source(%dma_start3A_89 : memref<100000x64xf32, #tpu.memory_space<hbm>>) target(%dma_start3A_83 : memref<128x64xf32, #tpu.memory_space<vmem>>) offsets(%dma_start3A_86 : memref<128xi32, #tpu.memory_space<vmem>>) semaphore(%arg7 : memref<!tpu.dma_semaphore, #tpu.memory_space<semaphore_mem>>)
      %dma_start3A_90 = arith.constant 8 : i32
      %dma_start3A_91 = arith.constant 1024 : i32
      %dma_start3A_92 = arith.constant 0 : i32
      %dma_start3A_93 = tpu.memref_slice %arg6[%dma_start3A_91, %dma_start3A_92] : memref<1280x64xf32, #tpu.memory_space<vmem>> -> memref<128x64xf32, #tpu.memory_space<vmem>>
      %dma_start3A_94 = arith.constant 0 : i32
      %dma_start3A_95 = tpu.memref_slice %arg5[%dma_start3A_90, %dma_start3A_94] : memref<10x128xi32, #tpu.memory_space<vmem>> -> memref<1x128xi32, #tpu.memory_space<vmem>>
      %dma_start3A_96 = tpu.memref_squeeze %dma_start3A_95 : memref<1x128xi32, #tpu.memory_space<vmem>> -> memref<128xi32, #tpu.memory_space<vmem>>
      %dma_start3A_97 = arith.constant 0 : i32
      %dma_start3A_98 = arith.constant 0 : i32
      %dma_start3A_99 = tpu.memref_slice %arg2[%dma_start3A_97, %dma_start3A_98] : memref<100000x64xf32, #tpu.memory_space<hbm>> -> memref<100000x64xf32, #tpu.memory_space<hbm>>
      tpu.enqueue_indirect_dma source(%dma_start3A_99 : memref<100000x64xf32, #tpu.memory_space<hbm>>) target(%dma_start3A_93 : memref<128x64xf32, #tpu.memory_space<vmem>>) offsets(%dma_start3A_96 : memref<128xi32, #tpu.memory_space<vmem>>) semaphore(%arg7 : memref<!tpu.dma_semaphore, #tpu.memory_space<semaphore_mem>>)
      %dma_start3A_100 = arith.constant 9 : i32
      %dma_start3A_101 = arith.constant 1152 : i32
      %dma_start3A_102 = arith.constant 0 : i32
      %dma_start3A_103 = tpu.memref_slice %arg6[%dma_start3A_101, %dma_start3A_102] : memref<1280x64xf32, #tpu.memory_space<vmem>> -> memref<128x64xf32, #tpu.memory_space<vmem>>
      %dma_start3A_104 = arith.constant 0 : i32
      %dma_start3A_105 = tpu.memref_slice %arg5[%dma_start3A_100, %dma_start3A_104] : memref<10x128xi32, #tpu.memory_space<vmem>> -> memref<1x128xi32, #tpu.memory_space<vmem>>
      %dma_start3A_106 = tpu.memref_squeeze %dma_start3A_105 : memref<1x128xi32, #tpu.memory_space<vmem>> -> memref<128xi32, #tpu.memory_space<vmem>>
      %dma_start3A_107 = arith.constant 0 : i32
      %dma_start3A_108 = arith.constant 0 : i32
      %dma_start3A_109 = tpu.memref_slice %arg2[%dma_start3A_107, %dma_start3A_108] : memref<100000x64xf32, #tpu.memory_space<hbm>> -> memref<100000x64xf32, #tpu.memory_space<hbm>>
      tpu.enqueue_indirect_dma source(%dma_start3A_109 : memref<100000x64xf32, #tpu.memory_space<hbm>>) target(%dma_start3A_103 : memref<128x64xf32, #tpu.memory_space<vmem>>) offsets(%dma_start3A_106 : memref<128xi32, #tpu.memory_space<vmem>>) semaphore(%arg7 : memref<!tpu.dma_semaphore, #tpu.memory_space<semaphore_mem>>)
      %dma_wait3A = arith.constant 0 : i32
      %dma_wait3A_110 = arith.constant 0 : i32
      %dma_wait3A_111 = arith.constant 0 : i32
      %dma_wait3A_112 = tpu.memref_slice %arg6[%dma_wait3A_110, %dma_wait3A_111] : memref<1280x64xf32, #tpu.memory_space<vmem>> -> memref<128x64xf32, #tpu.memory_space<vmem>>
      %dma_wait3A_113 = arith.constant 0 : i32
      %dma_wait3A_114 = tpu.memref_slice %arg5[%dma_wait3A, %dma_wait3A_113] : memref<10x128xi32, #tpu.memory_space<vmem>> -> memref<1x128xi32, #tpu.memory_space<vmem>>
      %dma_wait3A_115 = tpu.memref_squeeze %dma_wait3A_114 : memref<1x128xi32, #tpu.memory_space<vmem>> -> memref<128xi32, #tpu.memory_space<vmem>>
      %dma_wait3A_116 = arith.constant 0 : i32
      %dma_wait3A_117 = arith.constant 0 : i32
      %dma_wait3A_118 = tpu.memref_slice %arg2[%dma_wait3A_116, %dma_wait3A_117] : memref<100000x64xf32, #tpu.memory_space<hbm>> -> memref<100000x64xf32, #tpu.memory_space<hbm>>
      tpu.wait_indirect_dma semaphore(%arg7 : memref<!tpu.dma_semaphore, #tpu.memory_space<semaphore_mem>>) src(%dma_wait3A_118 : memref<100000x64xf32, #tpu.memory_space<hbm>>) dst(%dma_wait3A_112 : memref<128x64xf32, #tpu.memory_space<vmem>>)
      %dma_wait3A_119 = arith.constant 1 : i32
      %dma_wait3A_120 = arith.constant 128 : i32
      %dma_wait3A_121 = arith.constant 0 : i32
      %dma_wait3A_122 = tpu.memref_slice %arg6[%dma_wait3A_120, %dma_wait3A_121] : memref<1280x64xf32, #tpu.memory_space<vmem>> -> memref<128x64xf32, #tpu.memory_space<vmem>>
      %dma_wait3A_123 = arith.constant 0 : i32
      %dma_wait3A_124 = tpu.memref_slice %arg5[%dma_wait3A_119, %dma_wait3A_123] : memref<10x128xi32, #tpu.memory_space<vmem>> -> memref<1x128xi32, #tpu.memory_space<vmem>>
      %dma_wait3A_125 = tpu.memref_squeeze %dma_wait3A_124 : memref<1x128xi32, #tpu.memory_space<vmem>> -> memref<128xi32, #tpu.memory_space<vmem>>
      %dma_wait3A_126 = arith.constant 0 : i32
      %dma_wait3A_127 = arith.constant 0 : i32
      %dma_wait3A_128 = tpu.memref_slice %arg2[%dma_wait3A_126, %dma_wait3A_127] : memref<100000x64xf32, #tpu.memory_space<hbm>> -> memref<100000x64xf32, #tpu.memory_space<hbm>>
      tpu.wait_indirect_dma semaphore(%arg7 : memref<!tpu.dma_semaphore, #tpu.memory_space<semaphore_mem>>) src(%dma_wait3A_128 : memref<100000x64xf32, #tpu.memory_space<hbm>>) dst(%dma_wait3A_122 : memref<128x64xf32, #tpu.memory_space<vmem>>)
      %dma_wait3A_129 = arith.constant 2 : i32
      %dma_wait3A_130 = arith.constant 256 : i32
      %dma_wait3A_131 = arith.constant 0 : i32
      %dma_wait3A_132 = tpu.memref_slice %arg6[%dma_wait3A_130, %dma_wait3A_131] : memref<1280x64xf32, #tpu.memory_space<vmem>> -> memref<128x64xf32, #tpu.memory_space<vmem>>
      %dma_wait3A_133 = arith.constant 0 : i32
      %dma_wait3A_134 = tpu.memref_slice %arg5[%dma_wait3A_129, %dma_wait3A_133] : memref<10x128xi32, #tpu.memory_space<vmem>> -> memref<1x128xi32, #tpu.memory_space<vmem>>
      %dma_wait3A_135 = tpu.memref_squeeze %dma_wait3A_134 : memref<1x128xi32, #tpu.memory_space<vmem>> -> memref<128xi32, #tpu.memory_space<vmem>>
      %dma_wait3A_136 = arith.constant 0 : i32
      %dma_wait3A_137 = arith.constant 0 : i32
      %dma_wait3A_138 = tpu.memref_slice %arg2[%dma_wait3A_136, %dma_wait3A_137] : memref<100000x64xf32, #tpu.memory_space<hbm>> -> memref<100000x64xf32, #tpu.memory_space<hbm>>
      tpu.wait_indirect_dma semaphore(%arg7 : memref<!tpu.dma_semaphore, #tpu.memory_space<semaphore_mem>>) src(%dma_wait3A_138 : memref<100000x64xf32, #tpu.memory_space<hbm>>) dst(%dma_wait3A_132 : memref<128x64xf32, #tpu.memory_space<vmem>>)
      %dma_wait3A_139 = arith.constant 3 : i32
      %dma_wait3A_140 = arith.constant 384 : i32
      %dma_wait3A_141 = arith.constant 0 : i32
      %dma_wait3A_142 = tpu.memref_slice %arg6[%dma_wait3A_140, %dma_wait3A_141] : memref<1280x64xf32, #tpu.memory_space<vmem>> -> memref<128x64xf32, #tpu.memory_space<vmem>>
      %dma_wait3A_143 = arith.constant 0 : i32
      %dma_wait3A_144 = tpu.memref_slice %arg5[%dma_wait3A_139, %dma_wait3A_143] : memref<10x128xi32, #tpu.memory_space<vmem>> -> memref<1x128xi32, #tpu.memory_space<vmem>>
      %dma_wait3A_145 = tpu.memref_squeeze %dma_wait3A_144 : memref<1x128xi32, #tpu.memory_space<vmem>> -> memref<128xi32, #tpu.memory_space<vmem>>
      %dma_wait3A_146 = arith.constant 0 : i32
      %dma_wait3A_147 = arith.constant 0 : i32
      %dma_wait3A_148 = tpu.memref_slice %arg2[%dma_wait3A_146, %dma_wait3A_147] : memref<100000x64xf32, #tpu.memory_space<hbm>> -> memref<100000x64xf32, #tpu.memory_space<hbm>>
      tpu.wait_indirect_dma semaphore(%arg7 : memref<!tpu.dma_semaphore, #tpu.memory_space<semaphore_mem>>) src(%dma_wait3A_148 : memref<100000x64xf32, #tpu.memory_space<hbm>>) dst(%dma_wait3A_142 : memref<128x64xf32, #tpu.memory_space<vmem>>)
      %dma_wait3A_149 = arith.constant 4 : i32
      %dma_wait3A_150 = arith.constant 512 : i32
      %dma_wait3A_151 = arith.constant 0 : i32
      %dma_wait3A_152 = tpu.memref_slice %arg6[%dma_wait3A_150, %dma_wait3A_151] : memref<1280x64xf32, #tpu.memory_space<vmem>> -> memref<128x64xf32, #tpu.memory_space<vmem>>
      %dma_wait3A_153 = arith.constant 0 : i32
      %dma_wait3A_154 = tpu.memref_slice %arg5[%dma_wait3A_149, %dma_wait3A_153] : memref<10x128xi32, #tpu.memory_space<vmem>> -> memref<1x128xi32, #tpu.memory_space<vmem>>
      %dma_wait3A_155 = tpu.memref_squeeze %dma_wait3A_154 : memref<1x128xi32, #tpu.memory_space<vmem>> -> memref<128xi32, #tpu.memory_space<vmem>>
      %dma_wait3A_156 = arith.constant 0 : i32
      %dma_wait3A_157 = arith.constant 0 : i32
      %dma_wait3A_158 = tpu.memref_slice %arg2[%dma_wait3A_156, %dma_wait3A_157] : memref<100000x64xf32, #tpu.memory_space<hbm>> -> memref<100000x64xf32, #tpu.memory_space<hbm>>
      tpu.wait_indirect_dma semaphore(%arg7 : memref<!tpu.dma_semaphore, #tpu.memory_space<semaphore_mem>>) src(%dma_wait3A_158 : memref<100000x64xf32, #tpu.memory_space<hbm>>) dst(%dma_wait3A_152 : memref<128x64xf32, #tpu.memory_space<vmem>>)
      %dma_wait3A_159 = arith.constant 5 : i32
      %dma_wait3A_160 = arith.constant 640 : i32
      %dma_wait3A_161 = arith.constant 0 : i32
      %dma_wait3A_162 = tpu.memref_slice %arg6[%dma_wait3A_160, %dma_wait3A_161] : memref<1280x64xf32, #tpu.memory_space<vmem>> -> memref<128x64xf32, #tpu.memory_space<vmem>>
      %dma_wait3A_163 = arith.constant 0 : i32
      %dma_wait3A_164 = tpu.memref_slice %arg5[%dma_wait3A_159, %dma_wait3A_163] : memref<10x128xi32, #tpu.memory_space<vmem>> -> memref<1x128xi32, #tpu.memory_space<vmem>>
      %dma_wait3A_165 = tpu.memref_squeeze %dma_wait3A_164 : memref<1x128xi32, #tpu.memory_space<vmem>> -> memref<128xi32, #tpu.memory_space<vmem>>
      %dma_wait3A_166 = arith.constant 0 : i32
      %dma_wait3A_167 = arith.constant 0 : i32
      %dma_wait3A_168 = tpu.memref_slice %arg2[%dma_wait3A_166, %dma_wait3A_167] : memref<100000x64xf32, #tpu.memory_space<hbm>> -> memref<100000x64xf32, #tpu.memory_space<hbm>>
      tpu.wait_indirect_dma semaphore(%arg7 : memref<!tpu.dma_semaphore, #tpu.memory_space<semaphore_mem>>) src(%dma_wait3A_168 : memref<100000x64xf32, #tpu.memory_space<hbm>>) dst(%dma_wait3A_162 : memref<128x64xf32, #tpu.memory_space<vmem>>)
      %dma_wait3A_169 = arith.constant 6 : i32
      %dma_wait3A_170 = arith.constant 768 : i32
      %dma_wait3A_171 = arith.constant 0 : i32
      %dma_wait3A_172 = tpu.memref_slice %arg6[%dma_wait3A_170, %dma_wait3A_171] : memref<1280x64xf32, #tpu.memory_space<vmem>> -> memref<128x64xf32, #tpu.memory_space<vmem>>
      %dma_wait3A_173 = arith.constant 0 : i32
      %dma_wait3A_174 = tpu.memref_slice %arg5[%dma_wait3A_169, %dma_wait3A_173] : memref<10x128xi32, #tpu.memory_space<vmem>> -> memref<1x128xi32, #tpu.memory_space<vmem>>
      %dma_wait3A_175 = tpu.memref_squeeze %dma_wait3A_174 : memref<1x128xi32, #tpu.memory_space<vmem>> -> memref<128xi32, #tpu.memory_space<vmem>>
      %dma_wait3A_176 = arith.constant 0 : i32
      %dma_wait3A_177 = arith.constant 0 : i32
      %dma_wait3A_178 = tpu.memref_slice %arg2[%dma_wait3A_176, %dma_wait3A_177] : memref<100000x64xf32, #tpu.memory_space<hbm>> -> memref<100000x64xf32, #tpu.memory_space<hbm>>
      tpu.wait_indirect_dma semaphore(%arg7 : memref<!tpu.dma_semaphore, #tpu.memory_space<semaphore_mem>>) src(%dma_wait3A_178 : memref<100000x64xf32, #tpu.memory_space<hbm>>) dst(%dma_wait3A_172 : memref<128x64xf32, #tpu.memory_space<vmem>>)
      %dma_wait3A_179 = arith.constant 7 : i32
      %dma_wait3A_180 = arith.constant 896 : i32
      %dma_wait3A_181 = arith.constant 0 : i32
      %dma_wait3A_182 = tpu.memref_slice %arg6[%dma_wait3A_180, %dma_wait3A_181] : memref<1280x64xf32, #tpu.memory_space<vmem>> -> memref<128x64xf32, #tpu.memory_space<vmem>>
      %dma_wait3A_183 = arith.constant 0 : i32
      %dma_wait3A_184 = tpu.memref_slice %arg5[%dma_wait3A_179, %dma_wait3A_183] : memref<10x128xi32, #tpu.memory_space<vmem>> -> memref<1x128xi32, #tpu.memory_space<vmem>>
      %dma_wait3A_185 = tpu.memref_squeeze %dma_wait3A_184 : memref<1x128xi32, #tpu.memory_space<vmem>> -> memref<128xi32, #tpu.memory_space<vmem>>
      %dma_wait3A_186 = arith.constant 0 : i32
      %dma_wait3A_187 = arith.constant 0 : i32
      %dma_wait3A_188 = tpu.memref_slice %arg2[%dma_wait3A_186, %dma_wait3A_187] : memref<100000x64xf32, #tpu.memory_space<hbm>> -> memref<100000x64xf32, #tpu.memory_space<hbm>>
      tpu.wait_indirect_dma semaphore(%arg7 : memref<!tpu.dma_semaphore, #tpu.memory_space<semaphore_mem>>) src(%dma_wait3A_188 : memref<100000x64xf32, #tpu.memory_space<hbm>>) dst(%dma_wait3A_182 : memref<128x64xf32, #tpu.memory_space<vmem>>)
      %dma_wait3A_189 = arith.constant 8 : i32
      %dma_wait3A_190 = arith.constant 1024 : i32
      %dma_wait3A_191 = arith.constant 0 : i32
      %dma_wait3A_192 = tpu.memref_slice %arg6[%dma_wait3A_190, %dma_wait3A_191] : memref<1280x64xf32, #tpu.memory_space<vmem>> -> memref<128x64xf32, #tpu.memory_space<vmem>>
      %dma_wait3A_193 = arith.constant 0 : i32
      %dma_wait3A_194 = tpu.memref_slice %arg5[%dma_wait3A_189, %dma_wait3A_193] : memref<10x128xi32, #tpu.memory_space<vmem>> -> memref<1x128xi32, #tpu.memory_space<vmem>>
      %dma_wait3A_195 = tpu.memref_squeeze %dma_wait3A_194 : memref<1x128xi32, #tpu.memory_space<vmem>> -> memref<128xi32, #tpu.memory_space<vmem>>
      %dma_wait3A_196 = arith.constant 0 : i32
      %dma_wait3A_197 = arith.constant 0 : i32
      %dma_wait3A_198 = tpu.memref_slice %arg2[%dma_wait3A_196, %dma_wait3A_197] : memref<100000x64xf32, #tpu.memory_space<hbm>> -> memref<100000x64xf32, #tpu.memory_space<hbm>>
      tpu.wait_indirect_dma semaphore(%arg7 : memref<!tpu.dma_semaphore, #tpu.memory_space<semaphore_mem>>) src(%dma_wait3A_198 : memref<100000x64xf32, #tpu.memory_space<hbm>>) dst(%dma_wait3A_192 : memref<128x64xf32, #tpu.memory_space<vmem>>)
      %dma_wait3A_199 = arith.constant 9 : i32
      %dma_wait3A_200 = arith.constant 1152 : i32
      %dma_wait3A_201 = arith.constant 0 : i32
      %dma_wait3A_202 = tpu.memref_slice %arg6[%dma_wait3A_200, %dma_wait3A_201] : memref<1280x64xf32, #tpu.memory_space<vmem>> -> memref<128x64xf32, #tpu.memory_space<vmem>>
      %dma_wait3A_203 = arith.constant 0 : i32
      %dma_wait3A_204 = tpu.memref_slice %arg5[%dma_wait3A_199, %dma_wait3A_203] : memref<10x128xi32, #tpu.memory_space<vmem>> -> memref<1x128xi32, #tpu.memory_space<vmem>>
      %dma_wait3A_205 = tpu.memref_squeeze %dma_wait3A_204 : memref<1x128xi32, #tpu.memory_space<vmem>> -> memref<128xi32, #tpu.memory_space<vmem>>
      %dma_wait3A_206 = arith.constant 0 : i32
      %dma_wait3A_207 = arith.constant 0 : i32
      %dma_wait3A_208 = tpu.memref_slice %arg2[%dma_wait3A_206, %dma_wait3A_207] : memref<100000x64xf32, #tpu.memory_space<hbm>> -> memref<100000x64xf32, #tpu.memory_space<hbm>>
      tpu.wait_indirect_dma semaphore(%arg7 : memref<!tpu.dma_semaphore, #tpu.memory_space<semaphore_mem>>) src(%dma_wait3A_208 : memref<100000x64xf32, #tpu.memory_space<hbm>>) dst(%dma_wait3A_202 : memref<128x64xf32, #tpu.memory_space<vmem>>)
      %add3A_209 = arith.constant 0 : i32
      %add3A_210 = arith.addi %mul3A_10, %add3A_209 : i32
      %jit3A = arith.constant 2 : i32
      %div3A = arith.divsi %add3A_210, %jit3A : i32
      %sign3A = arith.constant 0 : i32
      %sign3A_211 = arith.cmpi sgt, %add3A_210, %sign3A : i32
      %sign3A_212 = arith.extui %sign3A_211 : i1 to i32
      %sign3A_213 = arith.constant 0 : i32
      %sign3A_214 = arith.cmpi slt, %add3A_210, %sign3A_213 : i32
      %sign3A_215 = arith.extui %sign3A_214 : i1 to i32
      %sign3A_216 = arith.subi %sign3A_212, %sign3A_215 : i32
      %sign3A_217 = arith.constant 0 : i32
      %sign3A_218 = arith.cmpi sgt, %jit3A, %sign3A_217 : i32
      %sign3A_219 = arith.extui %sign3A_218 : i1 to i32
      %sign3A_220 = arith.constant 0 : i32
      %sign3A_221 = arith.cmpi slt, %jit3A, %sign3A_220 : i32
      %sign3A_222 = arith.extui %sign3A_221 : i1 to i32
      %sign3A_223 = arith.subi %sign3A_219, %sign3A_222 : i32
      %ne3A = arith.cmpi ne, %sign3A_216, %sign3A_223 : i32
      %rem3A = arith.remsi %add3A_210, %jit3A : i32
      %ne3A_224 = arith.constant 0 : i32
      %ne3A_225 = arith.cmpi ne, %rem3A, %ne3A_224 : i32
      %and3A = arith.andi %ne3A, %ne3A_225 : i1
      %sub3A = arith.constant 1 : i32
      %sub3A_226 = arith.subi %div3A, %sub3A : i32
      %select_n3A = arith.select %and3A, %sub3A_226, %div3A : i32
      %add3A_227 = arith.constant 0 : i32
      %add3A_228 = arith.addi %mul3A_10, %add3A_227 : i32
      %jit3A_229 = arith.constant 2 : i32
      %eq3A = arith.constant 0 : i32
      %eq3A_230 = arith.cmpi eq, %jit3A_229, %eq3A : i32
      %jit3A_231 = arith.constant 1 : i32
      %select_n3A_232 = arith.select %eq3A_230, %jit3A_231, %jit3A_229 : i32
      %rem3A_233 = arith.remsi %add3A_228, %select_n3A_232 : i32
      %ne3A_234 = arith.constant 0 : i32
      %ne3A_235 = arith.cmpi ne, %rem3A_233, %ne3A_234 : i32
      %lt3A = arith.constant 0 : i32
      %lt3A_236 = arith.cmpi slt, %rem3A_233, %lt3A : i32
      %lt3A_237 = arith.constant 0 : i32
      %lt3A_238 = arith.cmpi slt, %select_n3A_232, %lt3A_237 : i32
      %ne3A_239 = arith.xori %lt3A_236, %lt3A_238 : i1
      %and3A_240 = arith.andi %ne3A_239, %ne3A_235 : i1
      %add3A_241 = arith.addi %rem3A_233, %select_n3A_232 : i32
      %select_n3A_242 = arith.select %and3A_240, %add3A_241, %rem3A_233 : i32
      %mul3A_243 = arith.constant 4096 : i32
      %mul3A_244 = arith.muli %mul3A_243, %select_n3A : i32
      %add3A_245 = arith.addi %mul3A_244, %mul3A_2 : i32
      %mul3A_246 = arith.constant 64 : i32
      %mul3A_247 = arith.muli %select_n3A_242, %mul3A_246 : i32
      %add3A_248 = arith.constant 1 : i32
      %add3A_249 = arith.addi %mul3A_10, %add3A_248 : i32
      %jit3A_250 = arith.constant 2 : i32
      %div3A_251 = arith.divsi %add3A_249, %jit3A_250 : i32
      %sign3A_252 = arith.constant 0 : i32
      %sign3A_253 = arith.cmpi sgt, %add3A_249, %sign3A_252 : i32
      %sign3A_254 = arith.extui %sign3A_253 : i1 to i32
      %sign3A_255 = arith.constant 0 : i32
      %sign3A_256 = arith.cmpi slt, %add3A_249, %sign3A_255 : i32
      %sign3A_257 = arith.extui %sign3A_256 : i1 to i32
      %sign3A_258 = arith.subi %sign3A_254, %sign3A_257 : i32
      %sign3A_259 = arith.constant 0 : i32
      %sign3A_260 = arith.cmpi sgt, %jit3A_250, %sign3A_259 : i32
      %sign3A_261 = arith.extui %sign3A_260 : i1 to i32
      %sign3A_262 = arith.constant 0 : i32
      %sign3A_263 = arith.cmpi slt, %jit3A_250, %sign3A_262 : i32
      %sign3A_264 = arith.extui %sign3A_263 : i1 to i32
      %sign3A_265 = arith.subi %sign3A_261, %sign3A_264 : i32
      %ne3A_266 = arith.cmpi ne, %sign3A_258, %sign3A_265 : i32
      %rem3A_267 = arith.remsi %add3A_249, %jit3A_250 : i32
      %ne3A_268 = arith.constant 0 : i32
      %ne3A_269 = arith.cmpi ne, %rem3A_267, %ne3A_268 : i32
      %and3A_270 = arith.andi %ne3A_266, %ne3A_269 : i1
      %sub3A_271 = arith.constant 1 : i32
      %sub3A_272 = arith.subi %div3A_251, %sub3A_271 : i32
      %select_n3A_273 = arith.select %and3A_270, %sub3A_272, %div3A_251 : i32
      %add3A_274 = arith.constant 1 : i32
      %add3A_275 = arith.addi %mul3A_10, %add3A_274 : i32
      %jit3A_276 = arith.constant 2 : i32
      %eq3A_277 = arith.constant 0 : i32
      %eq3A_278 = arith.cmpi eq, %jit3A_276, %eq3A_277 : i32
      %jit3A_279 = arith.constant 1 : i32
      %select_n3A_280 = arith.select %eq3A_278, %jit3A_279, %jit3A_276 : i32
      %rem3A_281 = arith.remsi %add3A_275, %select_n3A_280 : i32
      %ne3A_282 = arith.constant 0 : i32
      %ne3A_283 = arith.cmpi ne, %rem3A_281, %ne3A_282 : i32
      %lt3A_284 = arith.constant 0 : i32
      %lt3A_285 = arith.cmpi slt, %rem3A_281, %lt3A_284 : i32
      %lt3A_286 = arith.constant 0 : i32
      %lt3A_287 = arith.cmpi slt, %select_n3A_280, %lt3A_286 : i32
      %ne3A_288 = arith.xori %lt3A_285, %lt3A_287 : i1
      %and3A_289 = arith.andi %ne3A_288, %ne3A_283 : i1
      %add3A_290 = arith.addi %rem3A_281, %select_n3A_280 : i32
      %select_n3A_291 = arith.select %and3A_289, %add3A_290, %rem3A_281 : i32
      %mul3A_292 = arith.constant 4096 : i32
      %mul3A_293 = arith.muli %mul3A_292, %select_n3A_273 : i32
      %add3A_294 = arith.addi %mul3A_293, %mul3A_2 : i32
      %mul3A_295 = arith.constant 64 : i32
      %mul3A_296 = arith.muli %select_n3A_291, %mul3A_295 : i32
      %add3A_297 = arith.constant 2 : i32
      %add3A_298 = arith.addi %mul3A_10, %add3A_297 : i32
      %jit3A_299 = arith.constant 2 : i32
      %div3A_300 = arith.divsi %add3A_298, %jit3A_299 : i32
      %sign3A_301 = arith.constant 0 : i32
      %sign3A_302 = arith.cmpi sgt, %add3A_298, %sign3A_301 : i32
      %sign3A_303 = arith.extui %sign3A_302 : i1 to i32
      %sign3A_304 = arith.constant 0 : i32
      %sign3A_305 = arith.cmpi slt, %add3A_298, %sign3A_304 : i32
      %sign3A_306 = arith.extui %sign3A_305 : i1 to i32
      %sign3A_307 = arith.subi %sign3A_303, %sign3A_306 : i32
      %sign3A_308 = arith.constant 0 : i32
      %sign3A_309 = arith.cmpi sgt, %jit3A_299, %sign3A_308 : i32
      %sign3A_310 = arith.extui %sign3A_309 : i1 to i32
      %sign3A_311 = arith.constant 0 : i32
      %sign3A_312 = arith.cmpi slt, %jit3A_299, %sign3A_311 : i32
      %sign3A_313 = arith.extui %sign3A_312 : i1 to i32
      %sign3A_314 = arith.subi %sign3A_310, %sign3A_313 : i32
      %ne3A_315 = arith.cmpi ne, %sign3A_307, %sign3A_314 : i32
      %rem3A_316 = arith.remsi %add3A_298, %jit3A_299 : i32
      %ne3A_317 = arith.constant 0 : i32
      %ne3A_318 = arith.cmpi ne, %rem3A_316, %ne3A_317 : i32
      %and3A_319 = arith.andi %ne3A_315, %ne3A_318 : i1
      %sub3A_320 = arith.constant 1 : i32
      %sub3A_321 = arith.subi %div3A_300, %sub3A_320 : i32
      %select_n3A_322 = arith.select %and3A_319, %sub3A_321, %div3A_300 : i32
      %add3A_323 = arith.constant 2 : i32
      %add3A_324 = arith.addi %mul3A_10, %add3A_323 : i32
      %jit3A_325 = arith.constant 2 : i32
      %eq3A_326 = arith.constant 0 : i32
      %eq3A_327 = arith.cmpi eq, %jit3A_325, %eq3A_326 : i32
      %jit3A_328 = arith.constant 1 : i32
      %select_n3A_329 = arith.select %eq3A_327, %jit3A_328, %jit3A_325 : i32
      %rem3A_330 = arith.remsi %add3A_324, %select_n3A_329 : i32
      %ne3A_331 = arith.constant 0 : i32
      %ne3A_332 = arith.cmpi ne, %rem3A_330, %ne3A_331 : i32
      %lt3A_333 = arith.constant 0 : i32
      %lt3A_334 = arith.cmpi slt, %rem3A_330, %lt3A_333 : i32
      %lt3A_335 = arith.constant 0 : i32
      %lt3A_336 = arith.cmpi slt, %select_n3A_329, %lt3A_335 : i32
      %ne3A_337 = arith.xori %lt3A_334, %lt3A_336 : i1
      %and3A_338 = arith.andi %ne3A_337, %ne3A_332 : i1
      %add3A_339 = arith.addi %rem3A_330, %select_n3A_329 : i32
      %select_n3A_340 = arith.select %and3A_338, %add3A_339, %rem3A_330 : i32
      %mul3A_341 = arith.constant 4096 : i32
      %mul3A_342 = arith.muli %mul3A_341, %select_n3A_322 : i32
      %add3A_343 = arith.addi %mul3A_342, %mul3A_2 : i32
      %mul3A_344 = arith.constant 64 : i32
      %mul3A_345 = arith.muli %select_n3A_340, %mul3A_344 : i32
      %add3A_346 = arith.constant 3 : i32
      %add3A_347 = arith.addi %mul3A_10, %add3A_346 : i32
      %jit3A_348 = arith.constant 2 : i32
      %div3A_349 = arith.divsi %add3A_347, %jit3A_348 : i32
      %sign3A_350 = arith.constant 0 : i32
      %sign3A_351 = arith.cmpi sgt, %add3A_347, %sign3A_350 : i32
      %sign3A_352 = arith.extui %sign3A_351 : i1 to i32
      %sign3A_353 = arith.constant 0 : i32
      %sign3A_354 = arith.cmpi slt, %add3A_347, %sign3A_353 : i32
      %sign3A_355 = arith.extui %sign3A_354 : i1 to i32
      %sign3A_356 = arith.subi %sign3A_352, %sign3A_355 : i32
      %sign3A_357 = arith.constant 0 : i32
      %sign3A_358 = arith.cmpi sgt, %jit3A_348, %sign3A_357 : i32
      %sign3A_359 = arith.extui %sign3A_358 : i1 to i32
      %sign3A_360 = arith.constant 0 : i32
      %sign3A_361 = arith.cmpi slt, %jit3A_348, %sign3A_360 : i32
      %sign3A_362 = arith.extui %sign3A_361 : i1 to i32
      %sign3A_363 = arith.subi %sign3A_359, %sign3A_362 : i32
      %ne3A_364 = arith.cmpi ne, %sign3A_356, %sign3A_363 : i32
      %rem3A_365 = arith.remsi %add3A_347, %jit3A_348 : i32
      %ne3A_366 = arith.constant 0 : i32
      %ne3A_367 = arith.cmpi ne, %rem3A_365, %ne3A_366 : i32
      %and3A_368 = arith.andi %ne3A_364, %ne3A_367 : i1
      %sub3A_369 = arith.constant 1 : i32
      %sub3A_370 = arith.subi %div3A_349, %sub3A_369 : i32
      %select_n3A_371 = arith.select %and3A_368, %sub3A_370, %div3A_349 : i32
      %add3A_372 = arith.constant 3 : i32
      %add3A_373 = arith.addi %mul3A_10, %add3A_372 : i32
      %jit3A_374 = arith.constant 2 : i32
      %eq3A_375 = arith.constant 0 : i32
      %eq3A_376 = arith.cmpi eq, %jit3A_374, %eq3A_375 : i32
      %jit3A_377 = arith.constant 1 : i32
      %select_n3A_378 = arith.select %eq3A_376, %jit3A_377, %jit3A_374 : i32
      %rem3A_379 = arith.remsi %add3A_373, %select_n3A_378 : i32
      %ne3A_380 = arith.constant 0 : i32
      %ne3A_381 = arith.cmpi ne, %rem3A_379, %ne3A_380 : i32
      %lt3A_382 = arith.constant 0 : i32
      %lt3A_383 = arith.cmpi slt, %rem3A_379, %lt3A_382 : i32
      %lt3A_384 = arith.constant 0 : i32
      %lt3A_385 = arith.cmpi slt, %select_n3A_378, %lt3A_384 : i32
      %ne3A_386 = arith.xori %lt3A_383, %lt3A_385 : i1
      %and3A_387 = arith.andi %ne3A_386, %ne3A_381 : i1
      %add3A_388 = arith.addi %rem3A_379, %select_n3A_378 : i32
      %select_n3A_389 = arith.select %and3A_387, %add3A_388, %rem3A_379 : i32
      %mul3A_390 = arith.constant 4096 : i32
      %mul3A_391 = arith.muli %mul3A_390, %select_n3A_371 : i32
      %add3A_392 = arith.addi %mul3A_391, %mul3A_2 : i32
      %mul3A_393 = arith.constant 64 : i32
      %mul3A_394 = arith.muli %select_n3A_389, %mul3A_393 : i32
      %add3A_395 = arith.constant 4 : i32
      %add3A_396 = arith.addi %mul3A_10, %add3A_395 : i32
      %jit3A_397 = arith.constant 2 : i32
      %div3A_398 = arith.divsi %add3A_396, %jit3A_397 : i32
      %sign3A_399 = arith.constant 0 : i32
      %sign3A_400 = arith.cmpi sgt, %add3A_396, %sign3A_399 : i32
      %sign3A_401 = arith.extui %sign3A_400 : i1 to i32
      %sign3A_402 = arith.constant 0 : i32
      %sign3A_403 = arith.cmpi slt, %add3A_396, %sign3A_402 : i32
      %sign3A_404 = arith.extui %sign3A_403 : i1 to i32
      %sign3A_405 = arith.subi %sign3A_401, %sign3A_404 : i32
      %sign3A_406 = arith.constant 0 : i32
      %sign3A_407 = arith.cmpi sgt, %jit3A_397, %sign3A_406 : i32
      %sign3A_408 = arith.extui %sign3A_407 : i1 to i32
      %sign3A_409 = arith.constant 0 : i32
      %sign3A_410 = arith.cmpi slt, %jit3A_397, %sign3A_409 : i32
      %sign3A_411 = arith.extui %sign3A_410 : i1 to i32
      %sign3A_412 = arith.subi %sign3A_408, %sign3A_411 : i32
      %ne3A_413 = arith.cmpi ne, %sign3A_405, %sign3A_412 : i32
      %rem3A_414 = arith.remsi %add3A_396, %jit3A_397 : i32
      %ne3A_415 = arith.constant 0 : i32
      %ne3A_416 = arith.cmpi ne, %rem3A_414, %ne3A_415 : i32
      %and3A_417 = arith.andi %ne3A_413, %ne3A_416 : i1
      %sub3A_418 = arith.constant 1 : i32
      %sub3A_419 = arith.subi %div3A_398, %sub3A_418 : i32
      %select_n3A_420 = arith.select %and3A_417, %sub3A_419, %div3A_398 : i32
      %add3A_421 = arith.constant 4 : i32
      %add3A_422 = arith.addi %mul3A_10, %add3A_421 : i32
      %jit3A_423 = arith.constant 2 : i32
      %eq3A_424 = arith.constant 0 : i32
      %eq3A_425 = arith.cmpi eq, %jit3A_423, %eq3A_424 : i32
      %jit3A_426 = arith.constant 1 : i32
      %select_n3A_427 = arith.select %eq3A_425, %jit3A_426, %jit3A_423 : i32
      %rem3A_428 = arith.remsi %add3A_422, %select_n3A_427 : i32
      %ne3A_429 = arith.constant 0 : i32
      %ne3A_430 = arith.cmpi ne, %rem3A_428, %ne3A_429 : i32
      %lt3A_431 = arith.constant 0 : i32
      %lt3A_432 = arith.cmpi slt, %rem3A_428, %lt3A_431 : i32
      %lt3A_433 = arith.constant 0 : i32
      %lt3A_434 = arith.cmpi slt, %select_n3A_427, %lt3A_433 : i32
      %ne3A_435 = arith.xori %lt3A_432, %lt3A_434 : i1
      %and3A_436 = arith.andi %ne3A_435, %ne3A_430 : i1
      %add3A_437 = arith.addi %rem3A_428, %select_n3A_427 : i32
      %select_n3A_438 = arith.select %and3A_436, %add3A_437, %rem3A_428 : i32
      %mul3A_439 = arith.constant 4096 : i32
      %mul3A_440 = arith.muli %mul3A_439, %select_n3A_420 : i32
      %add3A_441 = arith.addi %mul3A_440, %mul3A_2 : i32
      %mul3A_442 = arith.constant 64 : i32
      %mul3A_443 = arith.muli %select_n3A_438, %mul3A_442 : i32
      %add3A_444 = arith.constant 5 : i32
      %add3A_445 = arith.addi %mul3A_10, %add3A_444 : i32
      %jit3A_446 = arith.constant 2 : i32
      %div3A_447 = arith.divsi %add3A_445, %jit3A_446 : i32
      %sign3A_448 = arith.constant 0 : i32
      %sign3A_449 = arith.cmpi sgt, %add3A_445, %sign3A_448 : i32
      %sign3A_450 = arith.extui %sign3A_449 : i1 to i32
      %sign3A_451 = arith.constant 0 : i32
      %sign3A_452 = arith.cmpi slt, %add3A_445, %sign3A_451 : i32
      %sign3A_453 = arith.extui %sign3A_452 : i1 to i32
      %sign3A_454 = arith.subi %sign3A_450, %sign3A_453 : i32
      %sign3A_455 = arith.constant 0 : i32
      %sign3A_456 = arith.cmpi sgt, %jit3A_446, %sign3A_455 : i32
      %sign3A_457 = arith.extui %sign3A_456 : i1 to i32
      %sign3A_458 = arith.constant 0 : i32
      %sign3A_459 = arith.cmpi slt, %jit3A_446, %sign3A_458 : i32
      %sign3A_460 = arith.extui %sign3A_459 : i1 to i32
      %sign3A_461 = arith.subi %sign3A_457, %sign3A_460 : i32
      %ne3A_462 = arith.cmpi ne, %sign3A_454, %sign3A_461 : i32
      %rem3A_463 = arith.remsi %add3A_445, %jit3A_446 : i32
      %ne3A_464 = arith.constant 0 : i32
      %ne3A_465 = arith.cmpi ne, %rem3A_463, %ne3A_464 : i32
      %and3A_466 = arith.andi %ne3A_462, %ne3A_465 : i1
      %sub3A_467 = arith.constant 1 : i32
      %sub3A_468 = arith.subi %div3A_447, %sub3A_467 : i32
      %select_n3A_469 = arith.select %and3A_466, %sub3A_468, %div3A_447 : i32
      %add3A_470 = arith.constant 5 : i32
      %add3A_471 = arith.addi %mul3A_10, %add3A_470 : i32
      %jit3A_472 = arith.constant 2 : i32
      %eq3A_473 = arith.constant 0 : i32
      %eq3A_474 = arith.cmpi eq, %jit3A_472, %eq3A_473 : i32
      %jit3A_475 = arith.constant 1 : i32
      %select_n3A_476 = arith.select %eq3A_474, %jit3A_475, %jit3A_472 : i32
      %rem3A_477 = arith.remsi %add3A_471, %select_n3A_476 : i32
      %ne3A_478 = arith.constant 0 : i32
      %ne3A_479 = arith.cmpi ne, %rem3A_477, %ne3A_478 : i32
      %lt3A_480 = arith.constant 0 : i32
      %lt3A_481 = arith.cmpi slt, %rem3A_477, %lt3A_480 : i32
      %lt3A_482 = arith.constant 0 : i32
      %lt3A_483 = arith.cmpi slt, %select_n3A_476, %lt3A_482 : i32
      %ne3A_484 = arith.xori %lt3A_481, %lt3A_483 : i1
      %and3A_485 = arith.andi %ne3A_484, %ne3A_479 : i1
      %add3A_486 = arith.addi %rem3A_477, %select_n3A_476 : i32
      %select_n3A_487 = arith.select %and3A_485, %add3A_486, %rem3A_477 : i32
      %mul3A_488 = arith.constant 4096 : i32
      %mul3A_489 = arith.muli %mul3A_488, %select_n3A_469 : i32
      %add3A_490 = arith.addi %mul3A_489, %mul3A_2 : i32
      %mul3A_491 = arith.constant 64 : i32
      %mul3A_492 = arith.muli %select_n3A_487, %mul3A_491 : i32
      %add3A_493 = arith.constant 6 : i32
      %add3A_494 = arith.addi %mul3A_10, %add3A_493 : i32
      %jit3A_495 = arith.constant 2 : i32
      %div3A_496 = arith.divsi %add3A_494, %jit3A_495 : i32
      %sign3A_497 = arith.constant 0 : i32
      %sign3A_498 = arith.cmpi sgt, %add3A_494, %sign3A_497 : i32
      %sign3A_499 = arith.extui %sign3A_498 : i1 to i32
      %sign3A_500 = arith.constant 0 : i32
      %sign3A_501 = arith.cmpi slt, %add3A_494, %sign3A_500 : i32
      %sign3A_502 = arith.extui %sign3A_501 : i1 to i32
      %sign3A_503 = arith.subi %sign3A_499, %sign3A_502 : i32
      %sign3A_504 = arith.constant 0 : i32
      %sign3A_505 = arith.cmpi sgt, %jit3A_495, %sign3A_504 : i32
      %sign3A_506 = arith.extui %sign3A_505 : i1 to i32
      %sign3A_507 = arith.constant 0 : i32
      %sign3A_508 = arith.cmpi slt, %jit3A_495, %sign3A_507 : i32
      %sign3A_509 = arith.extui %sign3A_508 : i1 to i32
      %sign3A_510 = arith.subi %sign3A_506, %sign3A_509 : i32
      %ne3A_511 = arith.cmpi ne, %sign3A_503, %sign3A_510 : i32
      %rem3A_512 = arith.remsi %add3A_494, %jit3A_495 : i32
      %ne3A_513 = arith.constant 0 : i32
      %ne3A_514 = arith.cmpi ne, %rem3A_512, %ne3A_513 : i32
      %and3A_515 = arith.andi %ne3A_511, %ne3A_514 : i1
      %sub3A_516 = arith.constant 1 : i32
      %sub3A_517 = arith.subi %div3A_496, %sub3A_516 : i32
      %select_n3A_518 = arith.select %and3A_515, %sub3A_517, %div3A_496 : i32
      %add3A_519 = arith.constant 6 : i32
      %add3A_520 = arith.addi %mul3A_10, %add3A_519 : i32
      %jit3A_521 = arith.constant 2 : i32
      %eq3A_522 = arith.constant 0 : i32
      %eq3A_523 = arith.cmpi eq, %jit3A_521, %eq3A_522 : i32
      %jit3A_524 = arith.constant 1 : i32
      %select_n3A_525 = arith.select %eq3A_523, %jit3A_524, %jit3A_521 : i32
      %rem3A_526 = arith.remsi %add3A_520, %select_n3A_525 : i32
      %ne3A_527 = arith.constant 0 : i32
      %ne3A_528 = arith.cmpi ne, %rem3A_526, %ne3A_527 : i32
      %lt3A_529 = arith.constant 0 : i32
      %lt3A_530 = arith.cmpi slt, %rem3A_526, %lt3A_529 : i32
      %lt3A_531 = arith.constant 0 : i32
      %lt3A_532 = arith.cmpi slt, %select_n3A_525, %lt3A_531 : i32
      %ne3A_533 = arith.xori %lt3A_530, %lt3A_532 : i1
      %and3A_534 = arith.andi %ne3A_533, %ne3A_528 : i1
      %add3A_535 = arith.addi %rem3A_526, %select_n3A_525 : i32
      %select_n3A_536 = arith.select %and3A_534, %add3A_535, %rem3A_526 : i32
      %mul3A_537 = arith.constant 4096 : i32
      %mul3A_538 = arith.muli %mul3A_537, %select_n3A_518 : i32
      %add3A_539 = arith.addi %mul3A_538, %mul3A_2 : i32
      %mul3A_540 = arith.constant 64 : i32
      %mul3A_541 = arith.muli %select_n3A_536, %mul3A_540 : i32
      %add3A_542 = arith.constant 7 : i32
      %add3A_543 = arith.addi %mul3A_10, %add3A_542 : i32
      %jit3A_544 = arith.constant 2 : i32
      %div3A_545 = arith.divsi %add3A_543, %jit3A_544 : i32
      %sign3A_546 = arith.constant 0 : i32
      %sign3A_547 = arith.cmpi sgt, %add3A_543, %sign3A_546 : i32
      %sign3A_548 = arith.extui %sign3A_547 : i1 to i32
      %sign3A_549 = arith.constant 0 : i32
      %sign3A_550 = arith.cmpi slt, %add3A_543, %sign3A_549 : i32
      %sign3A_551 = arith.extui %sign3A_550 : i1 to i32
      %sign3A_552 = arith.subi %sign3A_548, %sign3A_551 : i32
      %sign3A_553 = arith.constant 0 : i32
      %sign3A_554 = arith.cmpi sgt, %jit3A_544, %sign3A_553 : i32
      %sign3A_555 = arith.extui %sign3A_554 : i1 to i32
      %sign3A_556 = arith.constant 0 : i32
      %sign3A_557 = arith.cmpi slt, %jit3A_544, %sign3A_556 : i32
      %sign3A_558 = arith.extui %sign3A_557 : i1 to i32
      %sign3A_559 = arith.subi %sign3A_555, %sign3A_558 : i32
      %ne3A_560 = arith.cmpi ne, %sign3A_552, %sign3A_559 : i32
      %rem3A_561 = arith.remsi %add3A_543, %jit3A_544 : i32
      %ne3A_562 = arith.constant 0 : i32
      %ne3A_563 = arith.cmpi ne, %rem3A_561, %ne3A_562 : i32
      %and3A_564 = arith.andi %ne3A_560, %ne3A_563 : i1
      %sub3A_565 = arith.constant 1 : i32
      %sub3A_566 = arith.subi %div3A_545, %sub3A_565 : i32
      %select_n3A_567 = arith.select %and3A_564, %sub3A_566, %div3A_545 : i32
      %add3A_568 = arith.constant 7 : i32
      %add3A_569 = arith.addi %mul3A_10, %add3A_568 : i32
      %jit3A_570 = arith.constant 2 : i32
      %eq3A_571 = arith.constant 0 : i32
      %eq3A_572 = arith.cmpi eq, %jit3A_570, %eq3A_571 : i32
      %jit3A_573 = arith.constant 1 : i32
      %select_n3A_574 = arith.select %eq3A_572, %jit3A_573, %jit3A_570 : i32
      %rem3A_575 = arith.remsi %add3A_569, %select_n3A_574 : i32
      %ne3A_576 = arith.constant 0 : i32
      %ne3A_577 = arith.cmpi ne, %rem3A_575, %ne3A_576 : i32
      %lt3A_578 = arith.constant 0 : i32
      %lt3A_579 = arith.cmpi slt, %rem3A_575, %lt3A_578 : i32
      %lt3A_580 = arith.constant 0 : i32
      %lt3A_581 = arith.cmpi slt, %select_n3A_574, %lt3A_580 : i32
      %ne3A_582 = arith.xori %lt3A_579, %lt3A_581 : i1
      %and3A_583 = arith.andi %ne3A_582, %ne3A_577 : i1
      %add3A_584 = arith.addi %rem3A_575, %select_n3A_574 : i32
      %select_n3A_585 = arith.select %and3A_583, %add3A_584, %rem3A_575 : i32
      %mul3A_586 = arith.constant 4096 : i32
      %mul3A_587 = arith.muli %mul3A_586, %select_n3A_567 : i32
      %add3A_588 = arith.addi %mul3A_587, %mul3A_2 : i32
      %mul3A_589 = arith.constant 64 : i32
      %mul3A_590 = arith.muli %select_n3A_585, %mul3A_589 : i32
      %add3A_591 = arith.constant 8 : i32
      %add3A_592 = arith.addi %mul3A_10, %add3A_591 : i32
      %jit3A_593 = arith.constant 2 : i32
      %div3A_594 = arith.divsi %add3A_592, %jit3A_593 : i32
      %sign3A_595 = arith.constant 0 : i32
      %sign3A_596 = arith.cmpi sgt, %add3A_592, %sign3A_595 : i32
      %sign3A_597 = arith.extui %sign3A_596 : i1 to i32
      %sign3A_598 = arith.constant 0 : i32
      %sign3A_599 = arith.cmpi slt, %add3A_592, %sign3A_598 : i32
      %sign3A_600 = arith.extui %sign3A_599 : i1 to i32
      %sign3A_601 = arith.subi %sign3A_597, %sign3A_600 : i32
      %sign3A_602 = arith.constant 0 : i32
      %sign3A_603 = arith.cmpi sgt, %jit3A_593, %sign3A_602 : i32
      %sign3A_604 = arith.extui %sign3A_603 : i1 to i32
      %sign3A_605 = arith.constant 0 : i32
      %sign3A_606 = arith.cmpi slt, %jit3A_593, %sign3A_605 : i32
      %sign3A_607 = arith.extui %sign3A_606 : i1 to i32
      %sign3A_608 = arith.subi %sign3A_604, %sign3A_607 : i32
      %ne3A_609 = arith.cmpi ne, %sign3A_601, %sign3A_608 : i32
      %rem3A_610 = arith.remsi %add3A_592, %jit3A_593 : i32
      %ne3A_611 = arith.constant 0 : i32
      %ne3A_612 = arith.cmpi ne, %rem3A_610, %ne3A_611 : i32
      %and3A_613 = arith.andi %ne3A_609, %ne3A_612 : i1
      %sub3A_614 = arith.constant 1 : i32
      %sub3A_615 = arith.subi %div3A_594, %sub3A_614 : i32
      %select_n3A_616 = arith.select %and3A_613, %sub3A_615, %div3A_594 : i32
      %add3A_617 = arith.constant 8 : i32
      %add3A_618 = arith.addi %mul3A_10, %add3A_617 : i32
      %jit3A_619 = arith.constant 2 : i32
      %eq3A_620 = arith.constant 0 : i32
      %eq3A_621 = arith.cmpi eq, %jit3A_619, %eq3A_620 : i32
      %jit3A_622 = arith.constant 1 : i32
      %select_n3A_623 = arith.select %eq3A_621, %jit3A_622, %jit3A_619 : i32
      %rem3A_624 = arith.remsi %add3A_618, %select_n3A_623 : i32
      %ne3A_625 = arith.constant 0 : i32
      %ne3A_626 = arith.cmpi ne, %rem3A_624, %ne3A_625 : i32
      %lt3A_627 = arith.constant 0 : i32
      %lt3A_628 = arith.cmpi slt, %rem3A_624, %lt3A_627 : i32
      %lt3A_629 = arith.constant 0 : i32
      %lt3A_630 = arith.cmpi slt, %select_n3A_623, %lt3A_629 : i32
      %ne3A_631 = arith.xori %lt3A_628, %lt3A_630 : i1
      %and3A_632 = arith.andi %ne3A_631, %ne3A_626 : i1
      %add3A_633 = arith.addi %rem3A_624, %select_n3A_623 : i32
      %select_n3A_634 = arith.select %and3A_632, %add3A_633, %rem3A_624 : i32
      %mul3A_635 = arith.constant 4096 : i32
      %mul3A_636 = arith.muli %mul3A_635, %select_n3A_616 : i32
      %add3A_637 = arith.addi %mul3A_636, %mul3A_2 : i32
      %mul3A_638 = arith.constant 64 : i32
      %mul3A_639 = arith.muli %select_n3A_634, %mul3A_638 : i32
      %add3A_640 = arith.constant 9 : i32
      %add3A_641 = arith.addi %mul3A_10, %add3A_640 : i32
      %jit3A_642 = arith.constant 2 : i32
      %div3A_643 = arith.divsi %add3A_641, %jit3A_642 : i32
      %sign3A_644 = arith.constant 0 : i32
      %sign3A_645 = arith.cmpi sgt, %add3A_641, %sign3A_644 : i32
      %sign3A_646 = arith.extui %sign3A_645 : i1 to i32
      %sign3A_647 = arith.constant 0 : i32
      %sign3A_648 = arith.cmpi slt, %add3A_641, %sign3A_647 : i32
      %sign3A_649 = arith.extui %sign3A_648 : i1 to i32
      %sign3A_650 = arith.subi %sign3A_646, %sign3A_649 : i32
      %sign3A_651 = arith.constant 0 : i32
      %sign3A_652 = arith.cmpi sgt, %jit3A_642, %sign3A_651 : i32
      %sign3A_653 = arith.extui %sign3A_652 : i1 to i32
      %sign3A_654 = arith.constant 0 : i32
      %sign3A_655 = arith.cmpi slt, %jit3A_642, %sign3A_654 : i32
      %sign3A_656 = arith.extui %sign3A_655 : i1 to i32
      %sign3A_657 = arith.subi %sign3A_653, %sign3A_656 : i32
      %ne3A_658 = arith.cmpi ne, %sign3A_650, %sign3A_657 : i32
      %rem3A_659 = arith.remsi %add3A_641, %jit3A_642 : i32
      %ne3A_660 = arith.constant 0 : i32
      %ne3A_661 = arith.cmpi ne, %rem3A_659, %ne3A_660 : i32
      %and3A_662 = arith.andi %ne3A_658, %ne3A_661 : i1
      %sub3A_663 = arith.constant 1 : i32
      %sub3A_664 = arith.subi %div3A_643, %sub3A_663 : i32
      %select_n3A_665 = arith.select %and3A_662, %sub3A_664, %div3A_643 : i32
      %add3A_666 = arith.constant 9 : i32
      %add3A_667 = arith.addi %mul3A_10, %add3A_666 : i32
      %jit3A_668 = arith.constant 2 : i32
      %eq3A_669 = arith.constant 0 : i32
      %eq3A_670 = arith.cmpi eq, %jit3A_668, %eq3A_669 : i32
      %jit3A_671 = arith.constant 1 : i32
      %select_n3A_672 = arith.select %eq3A_670, %jit3A_671, %jit3A_668 : i32
      %rem3A_673 = arith.remsi %add3A_667, %select_n3A_672 : i32
      %ne3A_674 = arith.constant 0 : i32
      %ne3A_675 = arith.cmpi ne, %rem3A_673, %ne3A_674 : i32
      %lt3A_676 = arith.constant 0 : i32
      %lt3A_677 = arith.cmpi slt, %rem3A_673, %lt3A_676 : i32
      %lt3A_678 = arith.constant 0 : i32
      %lt3A_679 = arith.cmpi slt, %select_n3A_672, %lt3A_678 : i32
      %ne3A_680 = arith.xori %lt3A_677, %lt3A_679 : i1
      %and3A_681 = arith.andi %ne3A_680, %ne3A_675 : i1
      %add3A_682 = arith.addi %rem3A_673, %select_n3A_672 : i32
      %select_n3A_683 = arith.select %and3A_681, %add3A_682, %rem3A_673 : i32
      %mul3A_684 = arith.constant 4096 : i32
      %mul3A_685 = arith.muli %mul3A_684, %select_n3A_665 : i32
      %add3A_686 = arith.addi %mul3A_685, %mul3A_2 : i32
      %mul3A_687 = arith.constant 64 : i32
      %mul3A_688 = arith.muli %select_n3A_683, %mul3A_687 : i32
      %dma_start3A_689 = arith.constant 0 : i32
      %dma_start3A_690 = arith.constant 0 : i32
      %dma_start3A_691 = tpu.memref_slice %arg6[%dma_start3A_689, %dma_start3A_690] : memref<1280x64xf32, #tpu.memory_space<vmem>> -> memref<128x64xf32, #tpu.memory_space<vmem>>
      %dma_start3A_692 = tpu.memref_slice %arg4[%add3A_245, %mul3A_247] : memref<102400x128xf32, #tpu.memory_space<hbm>> -> memref<128x64xf32, #tpu.memory_space<hbm>>
      %dma_start3A_693 = tpu.memref_slice %arg4[%add3A_245, %mul3A_247] : memref<102400x128xf32, #tpu.memory_space<hbm>> -> memref<128x64xf32, #tpu.memory_space<hbm>>
      %dma_start3A_694 = arith.constant 0 : i32
      %dma_start3A_695 = arith.constant 0 : i32
      %dma_start3A_696 = tpu.memref_slice %arg6[%dma_start3A_694, %dma_start3A_695] : memref<1280x64xf32, #tpu.memory_space<vmem>> -> memref<128x64xf32, #tpu.memory_space<vmem>>
      tpu.enqueue_dma source(%dma_start3A_696 : memref<128x64xf32, #tpu.memory_space<vmem>>) target(%dma_start3A_693 : memref<128x64xf32, #tpu.memory_space<hbm>>) target_semaphore(%arg8 : memref<!tpu.dma_semaphore, #tpu.memory_space<semaphore_mem>>)
      %dma_start3A_697 = arith.constant 128 : i32
      %dma_start3A_698 = arith.constant 0 : i32
      %dma_start3A_699 = tpu.memref_slice %arg6[%dma_start3A_697, %dma_start3A_698] : memref<1280x64xf32, #tpu.memory_space<vmem>> -> memref<128x64xf32, #tpu.memory_space<vmem>>
      %dma_start3A_700 = tpu.memref_slice %arg4[%add3A_294, %mul3A_296] : memref<102400x128xf32, #tpu.memory_space<hbm>> -> memref<128x64xf32, #tpu.memory_space<hbm>>
      %dma_start3A_701 = tpu.memref_slice %arg4[%add3A_294, %mul3A_296] : memref<102400x128xf32, #tpu.memory_space<hbm>> -> memref<128x64xf32, #tpu.memory_space<hbm>>
      %dma_start3A_702 = arith.constant 128 : i32
      %dma_start3A_703 = arith.constant 0 : i32
      %dma_start3A_704 = tpu.memref_slice %arg6[%dma_start3A_702, %dma_start3A_703] : memref<1280x64xf32, #tpu.memory_space<vmem>> -> memref<128x64xf32, #tpu.memory_space<vmem>>
      tpu.enqueue_dma source(%dma_start3A_704 : memref<128x64xf32, #tpu.memory_space<vmem>>) target(%dma_start3A_701 : memref<128x64xf32, #tpu.memory_space<hbm>>) target_semaphore(%arg8 : memref<!tpu.dma_semaphore, #tpu.memory_space<semaphore_mem>>)
      %dma_start3A_705 = arith.constant 256 : i32
      %dma_start3A_706 = arith.constant 0 : i32
      %dma_start3A_707 = tpu.memref_slice %arg6[%dma_start3A_705, %dma_start3A_706] : memref<1280x64xf32, #tpu.memory_space<vmem>> -> memref<128x64xf32, #tpu.memory_space<vmem>>
      %dma_start3A_708 = tpu.memref_slice %arg4[%add3A_343, %mul3A_345] : memref<102400x128xf32, #tpu.memory_space<hbm>> -> memref<128x64xf32, #tpu.memory_space<hbm>>
      %dma_start3A_709 = tpu.memref_slice %arg4[%add3A_343, %mul3A_345] : memref<102400x128xf32, #tpu.memory_space<hbm>> -> memref<128x64xf32, #tpu.memory_space<hbm>>
      %dma_start3A_710 = arith.constant 256 : i32
      %dma_start3A_711 = arith.constant 0 : i32
      %dma_start3A_712 = tpu.memref_slice %arg6[%dma_start3A_710, %dma_start3A_711] : memref<1280x64xf32, #tpu.memory_space<vmem>> -> memref<128x64xf32, #tpu.memory_space<vmem>>
      tpu.enqueue_dma source(%dma_start3A_712 : memref<128x64xf32, #tpu.memory_space<vmem>>) target(%dma_start3A_709 : memref<128x64xf32, #tpu.memory_space<hbm>>) target_semaphore(%arg8 : memref<!tpu.dma_semaphore, #tpu.memory_space<semaphore_mem>>)
      %dma_start3A_713 = arith.constant 384 : i32
      %dma_start3A_714 = arith.constant 0 : i32
      %dma_start3A_715 = tpu.memref_slice %arg6[%dma_start3A_713, %dma_start3A_714] : memref<1280x64xf32, #tpu.memory_space<vmem>> -> memref<128x64xf32, #tpu.memory_space<vmem>>
      %dma_start3A_716 = tpu.memref_slice %arg4[%add3A_392, %mul3A_394] : memref<102400x128xf32, #tpu.memory_space<hbm>> -> memref<128x64xf32, #tpu.memory_space<hbm>>
      %dma_start3A_717 = tpu.memref_slice %arg4[%add3A_392, %mul3A_394] : memref<102400x128xf32, #tpu.memory_space<hbm>> -> memref<128x64xf32, #tpu.memory_space<hbm>>
      %dma_start3A_718 = arith.constant 384 : i32
      %dma_start3A_719 = arith.constant 0 : i32
      %dma_start3A_720 = tpu.memref_slice %arg6[%dma_start3A_718, %dma_start3A_719] : memref<1280x64xf32, #tpu.memory_space<vmem>> -> memref<128x64xf32, #tpu.memory_space<vmem>>
      tpu.enqueue_dma source(%dma_start3A_720 : memref<128x64xf32, #tpu.memory_space<vmem>>) target(%dma_start3A_717 : memref<128x64xf32, #tpu.memory_space<hbm>>) target_semaphore(%arg8 : memref<!tpu.dma_semaphore, #tpu.memory_space<semaphore_mem>>)
      %dma_start3A_721 = arith.constant 512 : i32
      %dma_start3A_722 = arith.constant 0 : i32
      %dma_start3A_723 = tpu.memref_slice %arg6[%dma_start3A_721, %dma_start3A_722] : memref<1280x64xf32, #tpu.memory_space<vmem>> -> memref<128x64xf32, #tpu.memory_space<vmem>>
      %dma_start3A_724 = tpu.memref_slice %arg4[%add3A_441, %mul3A_443] : memref<102400x128xf32, #tpu.memory_space<hbm>> -> memref<128x64xf32, #tpu.memory_space<hbm>>
      %dma_start3A_725 = tpu.memref_slice %arg4[%add3A_441, %mul3A_443] : memref<102400x128xf32, #tpu.memory_space<hbm>> -> memref<128x64xf32, #tpu.memory_space<hbm>>
      %dma_start3A_726 = arith.constant 512 : i32
      %dma_start3A_727 = arith.constant 0 : i32
      %dma_start3A_728 = tpu.memref_slice %arg6[%dma_start3A_726, %dma_start3A_727] : memref<1280x64xf32, #tpu.memory_space<vmem>> -> memref<128x64xf32, #tpu.memory_space<vmem>>
      tpu.enqueue_dma source(%dma_start3A_728 : memref<128x64xf32, #tpu.memory_space<vmem>>) target(%dma_start3A_725 : memref<128x64xf32, #tpu.memory_space<hbm>>) target_semaphore(%arg8 : memref<!tpu.dma_semaphore, #tpu.memory_space<semaphore_mem>>)
      %dma_start3A_729 = arith.constant 640 : i32
      %dma_start3A_730 = arith.constant 0 : i32
      %dma_start3A_731 = tpu.memref_slice %arg6[%dma_start3A_729, %dma_start3A_730] : memref<1280x64xf32, #tpu.memory_space<vmem>> -> memref<128x64xf32, #tpu.memory_space<vmem>>
      %dma_start3A_732 = tpu.memref_slice %arg4[%add3A_490, %mul3A_492] : memref<102400x128xf32, #tpu.memory_space<hbm>> -> memref<128x64xf32, #tpu.memory_space<hbm>>
      %dma_start3A_733 = tpu.memref_slice %arg4[%add3A_490, %mul3A_492] : memref<102400x128xf32, #tpu.memory_space<hbm>> -> memref<128x64xf32, #tpu.memory_space<hbm>>
      %dma_start3A_734 = arith.constant 640 : i32
      %dma_start3A_735 = arith.constant 0 : i32
      %dma_start3A_736 = tpu.memref_slice %arg6[%dma_start3A_734, %dma_start3A_735] : memref<1280x64xf32, #tpu.memory_space<vmem>> -> memref<128x64xf32, #tpu.memory_space<vmem>>
      tpu.enqueue_dma source(%dma_start3A_736 : memref<128x64xf32, #tpu.memory_space<vmem>>) target(%dma_start3A_733 : memref<128x64xf32, #tpu.memory_space<hbm>>) target_semaphore(%arg8 : memref<!tpu.dma_semaphore, #tpu.memory_space<semaphore_mem>>)
      %dma_start3A_737 = arith.constant 768 : i32
      %dma_start3A_738 = arith.constant 0 : i32
      %dma_start3A_739 = tpu.memref_slice %arg6[%dma_start3A_737, %dma_start3A_738] : memref<1280x64xf32, #tpu.memory_space<vmem>> -> memref<128x64xf32, #tpu.memory_space<vmem>>
      %dma_start3A_740 = tpu.memref_slice %arg4[%add3A_539, %mul3A_541] : memref<102400x128xf32, #tpu.memory_space<hbm>> -> memref<128x64xf32, #tpu.memory_space<hbm>>
      %dma_start3A_741 = tpu.memref_slice %arg4[%add3A_539, %mul3A_541] : memref<102400x128xf32, #tpu.memory_space<hbm>> -> memref<128x64xf32, #tpu.memory_space<hbm>>
      %dma_start3A_742 = arith.constant 768 : i32
      %dma_start3A_743 = arith.constant 0 : i32
      %dma_start3A_744 = tpu.memref_slice %arg6[%dma_start3A_742, %dma_start3A_743] : memref<1280x64xf32, #tpu.memory_space<vmem>> -> memref<128x64xf32, #tpu.memory_space<vmem>>
      tpu.enqueue_dma source(%dma_start3A_744 : memref<128x64xf32, #tpu.memory_space<vmem>>) target(%dma_start3A_741 : memref<128x64xf32, #tpu.memory_space<hbm>>) target_semaphore(%arg8 : memref<!tpu.dma_semaphore, #tpu.memory_space<semaphore_mem>>)
      %dma_start3A_745 = arith.constant 896 : i32
      %dma_start3A_746 = arith.constant 0 : i32
      %dma_start3A_747 = tpu.memref_slice %arg6[%dma_start3A_745, %dma_start3A_746] : memref<1280x64xf32, #tpu.memory_space<vmem>> -> memref<128x64xf32, #tpu.memory_space<vmem>>
      %dma_start3A_748 = tpu.memref_slice %arg4[%add3A_588, %mul3A_590] : memref<102400x128xf32, #tpu.memory_space<hbm>> -> memref<128x64xf32, #tpu.memory_space<hbm>>
      %dma_start3A_749 = tpu.memref_slice %arg4[%add3A_588, %mul3A_590] : memref<102400x128xf32, #tpu.memory_space<hbm>> -> memref<128x64xf32, #tpu.memory_space<hbm>>
      %dma_start3A_750 = arith.constant 896 : i32
      %dma_start3A_751 = arith.constant 0 : i32
      %dma_start3A_752 = tpu.memref_slice %arg6[%dma_start3A_750, %dma_start3A_751] : memref<1280x64xf32, #tpu.memory_space<vmem>> -> memref<128x64xf32, #tpu.memory_space<vmem>>
      tpu.enqueue_dma source(%dma_start3A_752 : memref<128x64xf32, #tpu.memory_space<vmem>>) target(%dma_start3A_749 : memref<128x64xf32, #tpu.memory_space<hbm>>) target_semaphore(%arg8 : memref<!tpu.dma_semaphore, #tpu.memory_space<semaphore_mem>>)
      %dma_start3A_753 = arith.constant 1024 : i32
      %dma_start3A_754 = arith.constant 0 : i32
      %dma_start3A_755 = tpu.memref_slice %arg6[%dma_start3A_753, %dma_start3A_754] : memref<1280x64xf32, #tpu.memory_space<vmem>> -> memref<128x64xf32, #tpu.memory_space<vmem>>
      %dma_start3A_756 = tpu.memref_slice %arg4[%add3A_637, %mul3A_639] : memref<102400x128xf32, #tpu.memory_space<hbm>> -> memref<128x64xf32, #tpu.memory_space<hbm>>
      %dma_start3A_757 = tpu.memref_slice %arg4[%add3A_637, %mul3A_639] : memref<102400x128xf32, #tpu.memory_space<hbm>> -> memref<128x64xf32, #tpu.memory_space<hbm>>
      %dma_start3A_758 = arith.constant 1024 : i32
      %dma_start3A_759 = arith.constant 0 : i32
      %dma_start3A_760 = tpu.memref_slice %arg6[%dma_start3A_758, %dma_start3A_759] : memref<1280x64xf32, #tpu.memory_space<vmem>> -> memref<128x64xf32, #tpu.memory_space<vmem>>
      tpu.enqueue_dma source(%dma_start3A_760 : memref<128x64xf32, #tpu.memory_space<vmem>>) target(%dma_start3A_757 : memref<128x64xf32, #tpu.memory_space<hbm>>) target_semaphore(%arg8 : memref<!tpu.dma_semaphore, #tpu.memory_space<semaphore_mem>>)
      %dma_start3A_761 = arith.constant 1152 : i32
      %dma_start3A_762 = arith.constant 0 : i32
      %dma_start3A_763 = tpu.memref_slice %arg6[%dma_start3A_761, %dma_start3A_762] : memref<1280x64xf32, #tpu.memory_space<vmem>> -> memref<128x64xf32, #tpu.memory_space<vmem>>
      %dma_start3A_764 = tpu.memref_slice %arg4[%add3A_686, %mul3A_688] : memref<102400x128xf32, #tpu.memory_space<hbm>> -> memref<128x64xf32, #tpu.memory_space<hbm>>
      %dma_start3A_765 = tpu.memref_slice %arg4[%add3A_686, %mul3A_688] : memref<102400x128xf32, #tpu.memory_space<hbm>> -> memref<128x64xf32, #tpu.memory_space<hbm>>
      %dma_start3A_766 = arith.constant 1152 : i32
      %dma_start3A_767 = arith.constant 0 : i32
      %dma_start3A_768 = tpu.memref_slice %arg6[%dma_start3A_766, %dma_start3A_767] : memref<1280x64xf32, #tpu.memory_space<vmem>> -> memref<128x64xf32, #tpu.memory_space<vmem>>
      tpu.enqueue_dma source(%dma_start3A_768 : memref<128x64xf32, #tpu.memory_space<vmem>>) target(%dma_start3A_765 : memref<128x64xf32, #tpu.memory_space<hbm>>) target_semaphore(%arg8 : memref<!tpu.dma_semaphore, #tpu.memory_space<semaphore_mem>>)
      %dma_wait3A_769 = arith.constant 0 : i32
      %dma_wait3A_770 = arith.constant 0 : i32
      %dma_wait3A_771 = tpu.memref_slice %arg6[%dma_wait3A_769, %dma_wait3A_770] : memref<1280x64xf32, #tpu.memory_space<vmem>> -> memref<128x64xf32, #tpu.memory_space<vmem>>
      %dma_wait3A_772 = tpu.memref_slice %arg4[%add3A_245, %mul3A_247] : memref<102400x128xf32, #tpu.memory_space<hbm>> -> memref<128x64xf32, #tpu.memory_space<hbm>>
      %dma_wait3A_773 = tpu.memref_slice %arg4[%add3A_245, %mul3A_247] : memref<102400x128xf32, #tpu.memory_space<hbm>> -> memref<128x64xf32, #tpu.memory_space<hbm>>
      %dma_wait3A_774 = arith.constant 0 : i32
      %dma_wait3A_775 = arith.constant 0 : i32
      %dma_wait3A_776 = tpu.memref_slice %arg6[%dma_wait3A_774, %dma_wait3A_775] : memref<1280x64xf32, #tpu.memory_space<vmem>> -> memref<128x64xf32, #tpu.memory_space<vmem>>
      tpu.wait_dma2 semaphore(%arg8 : memref<!tpu.dma_semaphore, #tpu.memory_space<semaphore_mem>>) src(%dma_wait3A_776 : memref<128x64xf32, #tpu.memory_space<vmem>>) dst(%dma_wait3A_773 : memref<128x64xf32, #tpu.memory_space<hbm>>)
      %dma_wait3A_777 = arith.constant 128 : i32
      %dma_wait3A_778 = arith.constant 0 : i32
      %dma_wait3A_779 = tpu.memref_slice %arg6[%dma_wait3A_777, %dma_wait3A_778] : memref<1280x64xf32, #tpu.memory_space<vmem>> -> memref<128x64xf32, #tpu.memory_space<vmem>>
      %dma_wait3A_780 = tpu.memref_slice %arg4[%add3A_294, %mul3A_296] : memref<102400x128xf32, #tpu.memory_space<hbm>> -> memref<128x64xf32, #tpu.memory_space<hbm>>
      %dma_wait3A_781 = tpu.memref_slice %arg4[%add3A_294, %mul3A_296] : memref<102400x128xf32, #tpu.memory_space<hbm>> -> memref<128x64xf32, #tpu.memory_space<hbm>>
      %dma_wait3A_782 = arith.constant 128 : i32
      %dma_wait3A_783 = arith.constant 0 : i32
      %dma_wait3A_784 = tpu.memref_slice %arg6[%dma_wait3A_782, %dma_wait3A_783] : memref<1280x64xf32, #tpu.memory_space<vmem>> -> memref<128x64xf32, #tpu.memory_space<vmem>>
      tpu.wait_dma2 semaphore(%arg8 : memref<!tpu.dma_semaphore, #tpu.memory_space<semaphore_mem>>) src(%dma_wait3A_784 : memref<128x64xf32, #tpu.memory_space<vmem>>) dst(%dma_wait3A_781 : memref<128x64xf32, #tpu.memory_space<hbm>>)
      %dma_wait3A_785 = arith.constant 256 : i32
      %dma_wait3A_786 = arith.constant 0 : i32
      %dma_wait3A_787 = tpu.memref_slice %arg6[%dma_wait3A_785, %dma_wait3A_786] : memref<1280x64xf32, #tpu.memory_space<vmem>> -> memref<128x64xf32, #tpu.memory_space<vmem>>
      %dma_wait3A_788 = tpu.memref_slice %arg4[%add3A_343, %mul3A_345] : memref<102400x128xf32, #tpu.memory_space<hbm>> -> memref<128x64xf32, #tpu.memory_space<hbm>>
      %dma_wait3A_789 = tpu.memref_slice %arg4[%add3A_343, %mul3A_345] : memref<102400x128xf32, #tpu.memory_space<hbm>> -> memref<128x64xf32, #tpu.memory_space<hbm>>
      %dma_wait3A_790 = arith.constant 256 : i32
      %dma_wait3A_791 = arith.constant 0 : i32
      %dma_wait3A_792 = tpu.memref_slice %arg6[%dma_wait3A_790, %dma_wait3A_791] : memref<1280x64xf32, #tpu.memory_space<vmem>> -> memref<128x64xf32, #tpu.memory_space<vmem>>
      tpu.wait_dma2 semaphore(%arg8 : memref<!tpu.dma_semaphore, #tpu.memory_space<semaphore_mem>>) src(%dma_wait3A_792 : memref<128x64xf32, #tpu.memory_space<vmem>>) dst(%dma_wait3A_789 : memref<128x64xf32, #tpu.memory_space<hbm>>)
      %dma_wait3A_793 = arith.constant 384 : i32
      %dma_wait3A_794 = arith.constant 0 : i32
      %dma_wait3A_795 = tpu.memref_slice %arg6[%dma_wait3A_793, %dma_wait3A_794] : memref<1280x64xf32, #tpu.memory_space<vmem>> -> memref<128x64xf32, #tpu.memory_space<vmem>>
      %dma_wait3A_796 = tpu.memref_slice %arg4[%add3A_392, %mul3A_394] : memref<102400x128xf32, #tpu.memory_space<hbm>> -> memref<128x64xf32, #tpu.memory_space<hbm>>
      %dma_wait3A_797 = tpu.memref_slice %arg4[%add3A_392, %mul3A_394] : memref<102400x128xf32, #tpu.memory_space<hbm>> -> memref<128x64xf32, #tpu.memory_space<hbm>>
      %dma_wait3A_798 = arith.constant 384 : i32
      %dma_wait3A_799 = arith.constant 0 : i32
      %dma_wait3A_800 = tpu.memref_slice %arg6[%dma_wait3A_798, %dma_wait3A_799] : memref<1280x64xf32, #tpu.memory_space<vmem>> -> memref<128x64xf32, #tpu.memory_space<vmem>>
      tpu.wait_dma2 semaphore(%arg8 : memref<!tpu.dma_semaphore, #tpu.memory_space<semaphore_mem>>) src(%dma_wait3A_800 : memref<128x64xf32, #tpu.memory_space<vmem>>) dst(%dma_wait3A_797 : memref<128x64xf32, #tpu.memory_space<hbm>>)
      %dma_wait3A_801 = arith.constant 512 : i32
      %dma_wait3A_802 = arith.constant 0 : i32
      %dma_wait3A_803 = tpu.memref_slice %arg6[%dma_wait3A_801, %dma_wait3A_802] : memref<1280x64xf32, #tpu.memory_space<vmem>> -> memref<128x64xf32, #tpu.memory_space<vmem>>
      %dma_wait3A_804 = tpu.memref_slice %arg4[%add3A_441, %mul3A_443] : memref<102400x128xf32, #tpu.memory_space<hbm>> -> memref<128x64xf32, #tpu.memory_space<hbm>>
      %dma_wait3A_805 = tpu.memref_slice %arg4[%add3A_441, %mul3A_443] : memref<102400x128xf32, #tpu.memory_space<hbm>> -> memref<128x64xf32, #tpu.memory_space<hbm>>
      %dma_wait3A_806 = arith.constant 512 : i32
      %dma_wait3A_807 = arith.constant 0 : i32
      %dma_wait3A_808 = tpu.memref_slice %arg6[%dma_wait3A_806, %dma_wait3A_807] : memref<1280x64xf32, #tpu.memory_space<vmem>> -> memref<128x64xf32, #tpu.memory_space<vmem>>
      tpu.wait_dma2 semaphore(%arg8 : memref<!tpu.dma_semaphore, #tpu.memory_space<semaphore_mem>>) src(%dma_wait3A_808 : memref<128x64xf32, #tpu.memory_space<vmem>>) dst(%dma_wait3A_805 : memref<128x64xf32, #tpu.memory_space<hbm>>)
      %dma_wait3A_809 = arith.constant 640 : i32
      %dma_wait3A_810 = arith.constant 0 : i32
      %dma_wait3A_811 = tpu.memref_slice %arg6[%dma_wait3A_809, %dma_wait3A_810] : memref<1280x64xf32, #tpu.memory_space<vmem>> -> memref<128x64xf32, #tpu.memory_space<vmem>>
      %dma_wait3A_812 = tpu.memref_slice %arg4[%add3A_490, %mul3A_492] : memref<102400x128xf32, #tpu.memory_space<hbm>> -> memref<128x64xf32, #tpu.memory_space<hbm>>
      %dma_wait3A_813 = tpu.memref_slice %arg4[%add3A_490, %mul3A_492] : memref<102400x128xf32, #tpu.memory_space<hbm>> -> memref<128x64xf32, #tpu.memory_space<hbm>>
      %dma_wait3A_814 = arith.constant 640 : i32
      %dma_wait3A_815 = arith.constant 0 : i32
      %dma_wait3A_816 = tpu.memref_slice %arg6[%dma_wait3A_814, %dma_wait3A_815] : memref<1280x64xf32, #tpu.memory_space<vmem>> -> memref<128x64xf32, #tpu.memory_space<vmem>>
      tpu.wait_dma2 semaphore(%arg8 : memref<!tpu.dma_semaphore, #tpu.memory_space<semaphore_mem>>) src(%dma_wait3A_816 : memref<128x64xf32, #tpu.memory_space<vmem>>) dst(%dma_wait3A_813 : memref<128x64xf32, #tpu.memory_space<hbm>>)
      %dma_wait3A_817 = arith.constant 768 : i32
      %dma_wait3A_818 = arith.constant 0 : i32
      %dma_wait3A_819 = tpu.memref_slice %arg6[%dma_wait3A_817, %dma_wait3A_818] : memref<1280x64xf32, #tpu.memory_space<vmem>> -> memref<128x64xf32, #tpu.memory_space<vmem>>
      %dma_wait3A_820 = tpu.memref_slice %arg4[%add3A_539, %mul3A_541] : memref<102400x128xf32, #tpu.memory_space<hbm>> -> memref<128x64xf32, #tpu.memory_space<hbm>>
      %dma_wait3A_821 = tpu.memref_slice %arg4[%add3A_539, %mul3A_541] : memref<102400x128xf32, #tpu.memory_space<hbm>> -> memref<128x64xf32, #tpu.memory_space<hbm>>
      %dma_wait3A_822 = arith.constant 768 : i32
      %dma_wait3A_823 = arith.constant 0 : i32
      %dma_wait3A_824 = tpu.memref_slice %arg6[%dma_wait3A_822, %dma_wait3A_823] : memref<1280x64xf32, #tpu.memory_space<vmem>> -> memref<128x64xf32, #tpu.memory_space<vmem>>
      tpu.wait_dma2 semaphore(%arg8 : memref<!tpu.dma_semaphore, #tpu.memory_space<semaphore_mem>>) src(%dma_wait3A_824 : memref<128x64xf32, #tpu.memory_space<vmem>>) dst(%dma_wait3A_821 : memref<128x64xf32, #tpu.memory_space<hbm>>)
      %dma_wait3A_825 = arith.constant 896 : i32
      %dma_wait3A_826 = arith.constant 0 : i32
      %dma_wait3A_827 = tpu.memref_slice %arg6[%dma_wait3A_825, %dma_wait3A_826] : memref<1280x64xf32, #tpu.memory_space<vmem>> -> memref<128x64xf32, #tpu.memory_space<vmem>>
      %dma_wait3A_828 = tpu.memref_slice %arg4[%add3A_588, %mul3A_590] : memref<102400x128xf32, #tpu.memory_space<hbm>> -> memref<128x64xf32, #tpu.memory_space<hbm>>
      %dma_wait3A_829 = tpu.memref_slice %arg4[%add3A_588, %mul3A_590] : memref<102400x128xf32, #tpu.memory_space<hbm>> -> memref<128x64xf32, #tpu.memory_space<hbm>>
      %dma_wait3A_830 = arith.constant 896 : i32
      %dma_wait3A_831 = arith.constant 0 : i32
      %dma_wait3A_832 = tpu.memref_slice %arg6[%dma_wait3A_830, %dma_wait3A_831] : memref<1280x64xf32, #tpu.memory_space<vmem>> -> memref<128x64xf32, #tpu.memory_space<vmem>>
      tpu.wait_dma2 semaphore(%arg8 : memref<!tpu.dma_semaphore, #tpu.memory_space<semaphore_mem>>) src(%dma_wait3A_832 : memref<128x64xf32, #tpu.memory_space<vmem>>) dst(%dma_wait3A_829 : memref<128x64xf32, #tpu.memory_space<hbm>>)
      %dma_wait3A_833 = arith.constant 1024 : i32
      %dma_wait3A_834 = arith.constant 0 : i32
      %dma_wait3A_835 = tpu.memref_slice %arg6[%dma_wait3A_833, %dma_wait3A_834] : memref<1280x64xf32, #tpu.memory_space<vmem>> -> memref<128x64xf32, #tpu.memory_space<vmem>>
      %dma_wait3A_836 = tpu.memref_slice %arg4[%add3A_637, %mul3A_639] : memref<102400x128xf32, #tpu.memory_space<hbm>> -> memref<128x64xf32, #tpu.memory_space<hbm>>
      %dma_wait3A_837 = tpu.memref_slice %arg4[%add3A_637, %mul3A_639] : memref<102400x128xf32, #tpu.memory_space<hbm>> -> memref<128x64xf32, #tpu.memory_space<hbm>>
      %dma_wait3A_838 = arith.constant 1024 : i32
      %dma_wait3A_839 = arith.constant 0 : i32
      %dma_wait3A_840 = tpu.memref_slice %arg6[%dma_wait3A_838, %dma_wait3A_839] : memref<1280x64xf32, #tpu.memory_space<vmem>> -> memref<128x64xf32, #tpu.memory_space<vmem>>
      tpu.wait_dma2 semaphore(%arg8 : memref<!tpu.dma_semaphore, #tpu.memory_space<semaphore_mem>>) src(%dma_wait3A_840 : memref<128x64xf32, #tpu.memory_space<vmem>>) dst(%dma_wait3A_837 : memref<128x64xf32, #tpu.memory_space<hbm>>)
      %dma_wait3A_841 = arith.constant 1152 : i32
      %dma_wait3A_842 = arith.constant 0 : i32
      %dma_wait3A_843 = tpu.memref_slice %arg6[%dma_wait3A_841, %dma_wait3A_842] : memref<1280x64xf32, #tpu.memory_space<vmem>> -> memref<128x64xf32, #tpu.memory_space<vmem>>
      %dma_wait3A_844 = tpu.memref_slice %arg4[%add3A_686, %mul3A_688] : memref<102400x128xf32, #tpu.memory_space<hbm>> -> memref<128x64xf32, #tpu.memory_space<hbm>>
      %dma_wait3A_845 = tpu.memref_slice %arg4[%add3A_686, %mul3A_688] : memref<102400x128xf32, #tpu.memory_space<hbm>> -> memref<128x64xf32, #tpu.memory_space<hbm>>
      %dma_wait3A_846 = arith.constant 1152 : i32
      %dma_wait3A_847 = arith.constant 0 : i32
      %dma_wait3A_848 = tpu.memref_slice %arg6[%dma_wait3A_846, %dma_wait3A_847] : memref<1280x64xf32, #tpu.memory_space<vmem>> -> memref<128x64xf32, #tpu.memory_space<vmem>>
      tpu.wait_dma2 semaphore(%arg8 : memref<!tpu.dma_semaphore, #tpu.memory_space<semaphore_mem>>) src(%dma_wait3A_848 : memref<128x64xf32, #tpu.memory_space<vmem>>) dst(%dma_wait3A_845 : memref<128x64xf32, #tpu.memory_space<hbm>>)
    }
    %scan3A_7 = arith.constant 5 : i32
    return
  }
}

module attributes {stable_mosaic.version = 14 : i64} {
  func.func @_pad_kernel(%arg0: i32, %arg1: memref<2000x50xf32, #tpu.memory_space<vmem>>, %arg2: memref<2000x50xf32, #tpu.memory_space<vmem>>, %arg3: memref<2000x128xf32, #tpu.memory_space<vmem>>) attributes {dimension_semantics = [#tpu.dimension_semantics<arbitrary>], iteration_bounds = array<i64: 25>, scalar_prefetch = 0 : i64, scratch_operands = 0 : i64, tpu.core_type = #tpu.core_type<tc>, window_params = [{transform_indices = @transform_0, window_bounds = array<i64: 2000, 50>}, {transform_indices = @transform_1, window_bounds = array<i64: 2000, 50>}, {transform_indices = @transform_2, window_bounds = array<i64: 2000, 128>}]} {
    %broadcast_in_dim3A = arith.constant 0.000000e+00 : f32
    %broadcast_in_dim3A_0 = vector.broadcast %broadcast_in_dim3A : f32 to vector<2000x14xf32>
    %get3A = arith.constant 0 : index
    %get3A_1 = arith.constant 0 : index
    %get3A_2 = vector.load %arg1[%get3A, %get3A_1] : memref<2000x50xf32, #tpu.memory_space<vmem>>, vector<2000x50xf32>
    %get3A_3 = arith.constant 0 : index
    %get3A_4 = arith.constant 0 : index
    %get3A_5 = vector.load %arg2[%get3A_3, %get3A_4] : memref<2000x50xf32, #tpu.memory_space<vmem>>, vector<2000x50xf32>
    %concatenate3A = tpu.concatenate %get3A_2, %broadcast_in_dim3A_0, %get3A_5, %broadcast_in_dim3A_0 in 1 : vector<2000x50xf32>, vector<2000x14xf32>, vector<2000x50xf32>, vector<2000x14xf32> -> vector<2000x128xf32>
    %swap3A = arith.constant 0 : index
    %swap3A_6 = arith.constant 0 : index
    %swap3A_7 = vector.load %arg3[%swap3A, %swap3A_6] : memref<2000x128xf32, #tpu.memory_space<vmem>>, vector<2000x128xf32>
    tpu.vector_store %arg3[%swap3A, %swap3A_6], %concatenate3A {strides = array<i32>} : memref<2000x128xf32, #tpu.memory_space<vmem>>, vector<2000x128xf32>,
    return
  }
  func.func @transform_0(%arg0: i32) -> (i32, i32) {
    %c0_i32 = arith.constant 0 : i32
    %c0_i32_0 = arith.constant 0 : i32
    return %arg0, %c0_i32 : i32, i32
  }
  func.func @transform_1(%arg0: i32) -> (i32, i32) {
    %add3A = arith.constant 25 : i32
    %add3A_0 = arith.addi %arg0, %add3A : i32
    %c0_i32 = arith.constant 0 : i32
    %c0_i32_1 = arith.constant 0 : i32
    return %add3A_0, %c0_i32 : i32, i32
  }
  func.func @transform_2(%arg0: i32) -> (i32, i32) {
    %c0_i32 = arith.constant 0 : i32
    %c0_i32_0 = arith.constant 0 : i32
    return %arg0, %c0_i32 : i32, i32
  }
}

module attributes {stable_mosaic.version = 14 : i64} {
  func.func @_matmul_kernel(%arg0: i32, %arg1: i32, %arg2: memref<4096x128xf32, #tpu.memory_space<vmem>>, %arg3: memref<128x128xf32, #tpu.memory_space<vmem>>, %arg4: memref<1x128xf32, #tpu.memory_space<vmem>>, %arg5: memref<4096x128xf32, #tpu.memory_space<vmem>>) attributes {dimension_semantics = [#tpu.dimension_semantics<arbitrary>, #tpu.dimension_semantics<arbitrary>], iteration_bounds = array<i64: 1, 25>, scalar_prefetch = 0 : i64, scratch_operands = 0 : i64, tpu.core_type = #tpu.core_type<tc>, window_params = [{transform_indices = @transform_0, window_bounds = array<i64: 4096, 128>}, {transform_indices = @transform_1, window_bounds = array<i64: 128, 128>}, {pipeline_mode = #tpu.pipeline_mode<synchronous>, transform_indices = @transform_2, window_bounds = array<i64: 1, 128>}, {transform_indices = @transform_3, window_bounds = array<i64: 4096, 128>}]} {
    %get3A = arith.constant 0 : index
    %get3A_0 = arith.constant 0 : index
    %get3A_1 = vector.load %arg2[%get3A, %get3A_0] : memref<4096x128xf32, #tpu.memory_space<vmem>>, vector<4096x128xf32>
    %convert_element_type3A = arith.truncf %get3A_1 : vector<4096x128xf32> to vector<4096x128xbf16>
    %get3A_2 = arith.constant 0 : index
    %get3A_3 = arith.constant 0 : index
    %get3A_4 = vector.load %arg3[%get3A_2, %get3A_3] : memref<128x128xf32, #tpu.memory_space<vmem>>, vector<128x128xf32>
    %convert_element_type3A_5 = arith.truncf %get3A_4 : vector<128x128xf32> to vector<128x128xbf16>
    %dot_general3A = arith.constant dense<0.000000e+00> : vector<4096x128xf32>
    %dot_general3A_6 = tpu.matmul %convert_element_type3A, %convert_element_type3A_5, %dot_general3A {dimension_numbers = #tpu.dot_dimension_numbers<[1], [1], [0], [0], [0, 0, 1, 0], [], []>, transpose_lhs_hint = false} : vector<4096x128xbf16>, vector<128x128xbf16>, vector<4096x128xf32> -> vector<4096x128xf32>
    %eq3A = arith.constant 0 : i32
    %eq3A_7 = arith.cmpi eq, %arg1, %eq3A : i32
    %convert_element_type3A_8 = arith.extui %eq3A_7 : i1 to i32
    %cond3A = arith.constant 0 : i32
    %cond3A_9 = arith.cmpi ne, %convert_element_type3A_8, %cond3A : i32
    scf.if %cond3A_9 {
      %get3A_15 = arith.constant 0 : index
      %get3A_16 = arith.constant 0 : index
      %get3A_17 = vector.load %arg4[%get3A_15, %get3A_16] : memref<1x128xf32, #tpu.memory_space<vmem>>, vector<1x128xf32>
      %broadcast_in_dim3A = vector.shape_cast %get3A_17 : vector<1x128xf32> to vector<1x128xf32>
      %broadcast_in_dim3A_18 = vector.broadcast %broadcast_in_dim3A : vector<1x128xf32> to vector<4096x128xf32>
      %swap3A_19 = arith.constant 0 : index
      %swap3A_20 = arith.constant 0 : index
      %swap3A_21 = vector.load %arg5[%swap3A_19, %swap3A_20] : memref<4096x128xf32, #tpu.memory_space<vmem>>, vector<4096x128xf32>
      tpu.vector_store %arg5[%swap3A_19, %swap3A_20], %broadcast_in_dim3A_18 {strides = array<i32>} : memref<4096x128xf32, #tpu.memory_space<vmem>>, vector<4096x128xf32>,
    } else {
    }
    %get3A_10 = arith.constant 0 : index
    %get3A_11 = arith.constant 0 : index
    %get3A_12 = vector.load %arg5[%get3A_10, %get3A_11] : memref<4096x128xf32, #tpu.memory_space<vmem>>, vector<4096x128xf32>
    %add3A = arith.addf %get3A_12, %dot_general3A_6 : vector<4096x128xf32>
    %swap3A = arith.constant 0 : index
    %swap3A_13 = arith.constant 0 : index
    %swap3A_14 = vector.load %arg5[%swap3A, %swap3A_13] : memref<4096x128xf32, #tpu.memory_space<vmem>>, vector<4096x128xf32>
    tpu.vector_store %arg5[%swap3A, %swap3A_13], %add3A {strides = array<i32>} : memref<4096x128xf32, #tpu.memory_space<vmem>>, vector<4096x128xf32>,
    return
  }
  func.func @transform_0(%arg0: i32, %arg1: i32) -> (i32, i32) {
    %mul3A = arith.constant 1 : i32
    %mul3A_0 = arith.muli %arg1, %mul3A : i32
    %add3A = arith.addi %mul3A_0, %arg0 : i32
    %c0_i32 = arith.constant 0 : i32
    %c0_i32_1 = arith.constant 0 : i32
    return %add3A, %c0_i32 : i32, i32
  }
  func.func @transform_1(%arg0: i32, %arg1: i32) -> (i32, i32) {
    %c0_i32 = arith.constant 0 : i32
    %c0_i32_0 = arith.constant 0 : i32
    return %c0_i32, %arg1 : i32, i32
  }
  func.func @transform_2(%arg0: i32, %arg1: i32) -> (i32, i32) {
    %c0_i32 = arith.constant 0 : i32
    %c0_i32_0 = arith.constant 0 : i32
    %c0_i32_1 = arith.constant 0 : i32
    return %c0_i32, %c0_i32_0 : i32, i32
  }
  func.func @transform_3(%arg0: i32, %arg1: i32) -> (i32, i32) {
    %c0_i32 = arith.constant 0 : i32
    %c0_i32_0 = arith.constant 0 : i32
    return %arg0, %c0_i32 : i32, i32
  }
}

</mosaic_0001>

<sc_bundles>
// kernel: kernel.5.cloned.1.call-start
scs
__scs_entry_jumppad:
0x0: {  	(pc) =	sbr.rel $0x88, $3  }
0x1: {  	(tag) =	ssettag $0x0;
	lr =	simm.s32 $0x1  }
0x2: {  	[smem:$0x3F9D] =	sst lr;
	_ =	strace $0xD0000000  }
0x3: {  	_ = 	snop  }
0x4: {  	_ = 	snop  }
0x5: {  	_ = 	snop  }
0x6: {  	_ = 	snop  }
0x7: {  	_ = 	snop  }
__scs_overlays_trampoline_lowered:
0x8: {  	[smem:$0x3FAC] =	sst s0  }
0x9: {  	[smem:$0x3FAD] =	sst s1  }
0xa: {  	[smem:$0x3FAE] =	sst s2  }
0xb: {  	[smem:$0x3FAF] =	sst s3  }
0xc: {  	[smem:$0x3FB0] =	sst s4  }
0xd: {  	[smem:$0x3FB1] =	sst s5  }
0xe: {  	[smem:$0x3FB2] =	sst s6  }
0xf: {  	[smem:$0x3FB3] =	sst s7  }
0x10: {  	[smem:$0x3FB4] =	sst s8  }
0x11: {  	[smem:$0x3FB5] =	sst s9;
	s0 =	simm.s32 @!p0 $0x0  }
0x12: {  	s1 =	sld [smem:$0x3F9B];
	s0 =	simm.s32 @p0 $0x1  }
0x13: {  	[smem:$0x3FB6] =	sst s0;
	s0 =	simm.s32 @!p1 $0x0  }
0x14: {  	s2 =	sld [smem:$0x3F9A];
	s0 =	simm.s32 @p1 $0x1  }
0x15: {  	[smem:$0x3FB7] =	sst s0;
	s0 =	simm.s32 @!p2 $0x0  }
0x16: {  	s3 =	sld [smem:$0x3FDB];
	s0 =	simm.s32 @p2 $0x1  }
0x17: {  	s4 =	simm.s32 $0x1BF5;
	[smem:$0x3FB9] =	sst s0  }
0x18: {  	s0 =	sld [smem:$0x3F9C];
	_ =	swait.ge [sflag:s4], $0x0  }
0x19: {  	s7 =	sld [smem:$0x3F9D]  }
0x1a: {  	s8 =	sadd.s32 $0xFFFFE003, lr  }
0x1b: {  	s9 =	sadd.s32 $0xFFFFFEF7, lr;
	s5 =	simm.s32 $0xFFFFFFFF;
	p2 =	slt.u32 s8, $0xFFFFF086  }
0x1c: {  	p1 =	slt.u32 s9, $0xF7A;
	s5 =	simm.s32 @!p2 $0x0  }
0x1d: {  	s5 =	simm.s32 @p1 $0x1;
	p0 =	seq.s32 s7, s2  }
0x1e: {  	s7 =	smul.u32 @!p0 $0xF7A, s2;
	p2 =	seq.s32 @!p0 s5, $0x0  }
0x1f: {  	s9 =	smul.u32 $0xF7A, s1;
	s8 =	simm.s32 @!p0 $0x1BF5;
	p2 =	por !p2, p0  }
0x20: {  	[sflag:s8] =	ssyncset.s32 @!p0 $0xFFFFF086;
	s6 =	sadd.s32 @!p0 s3, s7;
	s7 =	simm.s32 @!p0 $0x108  }
0x21: {  	s3 =	sadd.s32 s3, s9;
	s6 =	sadd.s32 @!p0 $0x88, s6;
	s7 =	simm.s32 @p2 $0x1082  }
0x22: {  	[simem:s7], [sflag:s8] =	dma.local @!p0 [hbm:s6], $0xF7A  }
0x23: {  	s9 =	sor.u32 $0xD0000000, s2;
	s6 =	simm.s32 $0x108;
	_ =	swait.ge @!p0 [sflag:s8], $0x0  }
0x24: {  	s3 =	sadd.s32 $0x88, s3;
	s6 =	simm.s32 @!p1 $0x1082;
	[sflag:s4] =	ssyncset.s32 $0xFFFFF086  }
0x25: {  	[simem:s6], [sflag:s4] =	dma.local [hbm:s3], $0xF7A  }
0x26: {  	[smem:$0x3F9D] =	sst s1;
	(tag) =	ssettag s2;
	_ =	strace s9  }
0x27: {  	s1 =	sld [smem:$0x3FAD]  }
0x28: {  	s2 =	sld [smem:$0x3FAE]  }
0x29: {  	s4 =	sld [smem:$0x3FB0]  }
0x2a: {  	p0 =	seq.s32 s5, $0x0;
	s5 =	sld [smem:$0x3FB1]  }
0x2b: {  	s6 =	sld [smem:$0x3FB2]  }
0x2c: {  	s7 =	sld [smem:$0x3FB3]  }
0x2d: {  	s3 =	simm.s32 $0x108;
	s8 =	sld [smem:$0x3FB4]  }
0x2e: {  	s3 =	simm.s32 @!p0 $0x1082;
	s9 =	sld [smem:$0x3FB5]  }
0x2f: {  	lr =	sadd.s32 s0, s3;
	s0 =	sld [smem:$0x3FAC]  }
0x30: {  	s3 =	sld [smem:$0x3FAF]  }
0x31: {  	[smem:$0x3FB8] =	sst s10  }
0x32: {  	s10 =	sld [smem:$0x3FB6];
	_ =	sdelay $0x3  }
0x33: {  	p0 =	seq.s32 s10, $0x1;
	s10 =	sld [smem:$0x3FB8];
	_ =	sdelay $0x3  }
0x34: {  	[smem:$0x3FB8] =	sst s10  }
0x35: {  	s10 =	sld [smem:$0x3FB7];
	_ =	sdelay $0x3  }
0x36: {  	p1 =	seq.s32 s10, $0x1;
	s10 =	sld [smem:$0x3FB8];
	_ =	sdelay $0x3  }
0x37: {  	[smem:$0x3FB8] =	sst s10  }
0x38: {  	s10 =	sld [smem:$0x3FB9]  }
0x39: {  	_ = 	snop;
	(pc) =	sbr.ind lr, $3  }
0x3a: {  	_ = 	snop  }
0x3b: {  	_ = 	snop  }
0x3c: {  	p2 =	seq.s32 s10, $0x1;
	s10 =	sld [smem:$0x3FB8]  }
0x3d: {  	_ =	shalt  }
0x3e: {  	_ =	shalt  }
0x3f: {  	_ =	shalt  }
0x40: {  	_ =	shalt  }
0x41: {  	_ =	shalt  }
0x42: {  	_ =	shalt  }
0x43: {  	_ =	shalt  }
0x44: {  	_ =	shalt  }
0x45: {  	_ =	shalt  }
0x46: {  	_ =	shalt  }
0x47: {  	_ =	shalt  }
0x48: {  	_ =	shalt  }
0x49: {  	_ =	shalt  }
0x4a: {  	_ =	shalt  }
0x4b: {  	_ =	shalt  }
0x4c: {  	_ =	shalt  }
0x4d: {  	_ =	shalt  }
0x4e: {  	_ =	shalt  }
0x4f: {  	_ =	shalt  }
0x50: {  	_ =	shalt  }
0x51: {  	_ =	shalt  }
0x52: {  	_ =	shalt  }
0x53: {  	_ =	shalt  }
0x54: {  	_ =	shalt  }
0x55: {  	_ =	shalt  }
0x56: {  	_ =	shalt  }
0x57: {  	_ =	shalt  }
0x58: {  	_ =	shalt  }
0x59: {  	_ =	shalt  }
0x5a: {  	_ =	shalt  }
0x5b: {  	_ =	shalt  }
0x5c: {  	_ =	shalt  }
0x5d: {  	_ =	shalt  }
0x5e: {  	_ =	shalt  }
0x5f: {  	_ =	shalt  }
0x60: {  	_ =	shalt  }
0x61: {  	_ =	shalt  }
0x62: {  	_ =	shalt  }
0x63: {  	_ =	shalt  }
0x64: {  	_ =	shalt  }
0x65: {  	_ =	shalt  }
0x66: {  	_ =	shalt  }
0x67: {  	_ =	shalt  }
0x68: {  	_ =	shalt  }
0x69: {  	_ =	shalt  }
0x6a: {  	_ =	shalt  }
0x6b: {  	_ =	shalt  }
0x6c: {  	_ =	shalt  }
0x6d: {  	_ =	shalt  }
0x6e: {  	_ =	shalt  }
0x6f: {  	_ =	shalt  }
0x70: {  	_ =	shalt  }
0x71: {  	_ =	shalt  }
0x72: {  	_ =	shalt  }
0x73: {  	_ =	shalt  }
0x74: {  	_ =	shalt  }
0x75: {  	_ =	shalt  }
0x76: {  	_ =	shalt  }
0x77: {  	_ =	shalt  }
0x78: {  	_ =	shalt  }
0x79: {  	_ =	shalt  }
0x7a: {  	_ =	shalt  }
0x7b: {  	_ =	shalt  }
0x7c: {  	_ =	shalt  }
0x7d: {  	_ =	shalt  }
0x7e: {  	_ =	shalt  }
0x7f: {  	_ =	shalt  }
0x80: {  	_ =	shalt  }
0x81: {  	_ =	shalt  }
0x82: {  	_ =	shalt  }
0x83: {  	_ =	shalt  }
0x84: {  	_ =	shalt  }
0x85: {  	_ =	shalt  }
0x86: {  	_ =	shalt  }
0x87: {  	_ =	shalt  }
.Lfunc_end0:
.L_simem_size_0:
called_computation_lowered:
.L_overlay_start_0:
0x88: {  	s2 =	sld [smem:$0x3FD9]  }
0x89: {  	s3 =	sld [smem:$0x3FFE];
	_ =	sdelay $0x1  }
0x8a: {  	s1 =	srdreg.scid  }
0x8b: {  	s0 =	sand.u32 $0x1, s1  }
0x8c: {  	s17 =	sshll.u32 s0, $0xA;
	s2 =	sadd.s32 s3, s2  }
0x8d: {  	s2 =	sadd.s32 s2, s17  }
0x8e: {  	[smem:$0x3FC4] =	sst s2  }
0x8f: {  	_ = 	snop  }
0x90: {  	s2 =	sld [smem:$0x3FD0];
	(tm) =	ssettm $0x1  }
0x91: {  	s18 =	sld [smem:$0x3FFB];
	_ =	sdelay $0x3  }
0x92: {  	_ =	strace s18  }
0x93: {  	s3 =	sld [smem:$0x3FFC];
	_ =	sdelay $0x3  }
0x94: {  	_ =	strace s3  }
0x95: {  	s3 =	sld [smem:$0x3FFD];
	_ =	sdelay $0x3  }
0x96: {  	_ =	strace s3  }
0x97: {  	_ =	strace $0x8FFFFFFF  }
0x98: {  	s19 =	sld [smem:$0x3FDB];
	_ =	sdelay $0x1  }
0x99: {  	s4 =	simm.s32 $_scs_section_size  }
0x9a: {  	s5 =	simm.s32 $_size__tile_overlayer_lowered;
	s6 =	simm.s32 $_tile_overlayer_lowered  }
0x9b: {  	s22 =	simm.s32 $0x1BFF;
	s21 =	sshll.u32 s6, $0x1;
	s3 =	sadd.s32 s4, s19  }
0x9c: {  	s7 =	simm.s32 $0x0;
	s20 =	sshll.u32 s5, $0x1;
	s5 =	sadd.s32 s21, s3  }
0x9d: {  	[timem:s7], [sflag:s22] =	dma.local [hbm:s5], s20  }
0x9e: {  	_ =	swait.ge [sflag:s22], s20  }
0x9f: {  	s4 =	ssub.s32 $0x0, s20;
	[sflag:s22] =	ssyncset.done $0x0  }
0xa0: {  	[sflag:s22] =	ssyncadd.s32 s4;
	_ =	sdelay $0x1  }
0xa1: {  	s23 =	simm.s32 $0x1B8B  }
0xa2: {  	_ =	swait.ge [sflag:s23], $0x1  }
0xa3: {  	[sflag:s23] =	ssyncset.done $0x0  }
0xa4: {  	s25 =	simm.s32 $0x1B8E;
	s24 =	sld [smem:$0x3FFE];
	[sflag:s23] =	ssyncadd.s32 $0xFFFFFFFF  }
0xa5: {  	s26 =	simm.s32 $execute0_lowered;
	[smem:$0x3FD2] =	sst s25  }
0xa6: {  	s5 =	sshll.u32 s26, $0x1;
	_ =	strace $0x80000046;
	[dreg:$0x1] =	wrdreg $0xFFFFFFFF  }
0xa7: {  	s28 =	simm.s32 $_size_execute0_lowered;
	s3 =	sadd.s32 s3, s5;
	[dreg:$0x0] =	wrdreg $0x0  }
0xa8: {  	s5 =	sshll.u32 s28, $0x1;
	[dreg:$0x2] =	wrdreg s3  }
0xa9: {  	[dreg:$0x3] =	wrdreg s5  }
0xaa: {  	[dreg:$0x4] =	wrdreg $0xC0  }
0xab: {  	_ =	task [dreg:s7], $0x5FFFF  }
0xac: {  	[dreg:$0x1] =	wrdreg $0xFFFFFFFF  }
0xad: {  	[dreg:$0x0] =	wrdreg $0x60  }
0xae: {  	[dreg:$0x2] =	wrdreg s24  }
0xaf: {  	[dreg:$0x3] =	wrdreg s2  }
0xb0: {  	[dreg:$0x4] =	wrdreg $0x9  }
0xb1: {  	_ =	task.clear_ibuf [dreg:s7], $0x5FFFF;
	_ =	strace $0x90000046  }
0xb2: {  	s29 =	simm.s32 $0x9;
	_ =	strace $0x80000048  }
0xb3: {  	_ =	swait.ge [sflag:s29], $0x1  }
0xb4: {  	[sflag:s29] =	ssyncadd.s32 $0xFFFFFFFF  }
0xb5: {  	_ =	strace $0x90000048  }
0xb6: {  	_ =	sfence  }
0xb7: {  	s30 =	sld [smem:$0x0];
	_ =	sdelay $0x2  }
0xb8: {  	s31 =	sshll.u32 s1, $0xD;
	s1 =	sshrl.u32 s1, $0x2  }
0xb9: {  	s3 =	sand.u32 $0x4000, s31;
	s1 =	sadd.s32 s1, s30  }
0xba: {  	s0 =	sor.u32 s3, s0;
	s1 =	sshll.u32 s1, $0x11  }
0xbb: {  	s0 =	sor.u32 s1, s0  }
0xbc: {  	s0 =	sadd.s32 $0x8F2B, s0  }
0xbd: {  	[sflag:s0] =	ssyncadd.remote.s32 $0x1  }
0xbe: {  	_ =	sfence.sel $0xFFFF  }
0xbf: {  	[dreg:$0x0] =	wrdreg $0xFFFFFFFF;
	(pc) =	sbr.abs _section_cstart, $3  }
0xc0: {  	[dreg:$0x1] =	wrdreg $0xFFFFFFFF  }
0xc1: {  	_ =	task.clear_ibuf [dreg:s7], $0x2FFFF;
	_ =	strace $0x9FFFFFFF  }
0xc2: {  	(tm) =	ssettm $0x7FFFFFFF  }
0xc3: {  	_ =	shalt  }
tec
execute0_lowered:
.L_overlay_start_1:
0x0: {  	(tag) =	ssettag $0x1  }
0x1: {  	s4 =	rddreg [dreg:$0x0]  }
0x2: {  	s5 =	rddreg [dreg:$0x1]  }
0x3: {  	s0 =	rddreg [dreg:$0x2]  }
0x4: {  	s1 =	simm.s32 $0x0;
	s2 =	srdreg.scid;
	s26 =	simm.s32 $0x1000  }
0x5: {  	s28 =	simm.s32 $0x100;
	s29 =	simm.s32 $0x180;
	s30 =	simm.s32 $0x200  }
0x6: {  	s31 =	simm.s32 $0x280;
	[smem:$0x7FF] =	sst s1;
	s6 =	sand.u32 $0x1, s2  }
0x7: {  	s3 =	sadd.s32 $0x187400, s4;
	s2 =	stileid.u32;
	s9 =	sadd.s32 $0x24AA00, s4  }
0x8: {  	_ =	strace $0x80000047;
	s7 =	ssub.s32 $0x2, s6;
	[dreg:$0x9] =	wrdreg s26  }
0x9: {  	s13 =	sshll.u32 s2, $0x8;
	s14 =	sshll.u32 s2, $0xC;
	[dreg:$0xa] =	wrdreg s28  }
0xa: {  	s10 =	sshll.u32 s2, $0xF;
	s11 =	sshll.u32 s6, $0xE;
	[dreg:$0xb] =	wrdreg s29  }
0xb: {  	s12 =	sshll.u32 s6, $0xB;
	s6 =	sshll.u32 s6, $0x7;
	[dreg:$0xc] =	wrdreg s30  }
0xc: {  	[dreg:$0xd] =	wrdreg s31;
	s8 =	sshrl.u32 s7, $0x1;
	s10 =	sor.u32 s11, s10  }
0xd: {  	s6 =	sor.u32 s6, s13;
	s13 =	simm.s32 $0x300;
	s7 =	ssub.s32 s7, s8  }
0xe: {  	s8 =	sadd.s32 s14, s9;
	s11 =	sor.u32 $0x200000, s10;
	s17 =	sor.u32 $0x180000, s10  }
0xf: {  	s6 =	sshrl.u32 s6, $0x3;
	s19 =	sor.u32 $0x100000, s10;
	s20 =	sor.u32 $0x80000, s10  }
0x10: {  	s10 =	sshrl.u32 s10, $0x3;
	[dreg:$0xe] =	wrdreg s13;
	s13 =	simm.s32 $0xA500  }
0x11: {  	s14 =	simm.s32 $0xC500;
	s8 =	sadd.s32 s12, s8;
	s4 =	smax.u32 s7, $0x1  }
0x12: {  	s15 =	sshrl.u32 s11, $0x3;
	s22 =	sshrl.u32 s20, $0x3;
	s24 =	sadd.s32 s10, s9  }
0x13: {  	s5 =	sadd.s32 s6, s5;
	s6 =	simm.s32 $0x80;
	s10 =	simm.s32 $0x4500  }
0x14: {  	s11 =	simm.s32 $0x6500;
	s12 =	simm.s32 $0x8500;
	s20 =	simm.s32 $0x1  }
0x15: {  	[dreg:$0x3] =	wrdreg s8;
	s16 =	sadd.s32 s15, s9;
	s8 =	sshrl.u32 s17, $0x3  }
0x16: {  	s25 =	sadd.s32 $0x8, s24;
	s15 =	simm.s32 $0x380;
	s17 =	simm.s32 $0x10500  }
0x17: {  	s7 =	sadd.s32 $0x8, s16;
	s18 =	sadd.s32 s8, s9;
	[dreg:$0x8] =	wrdreg s25  }
0x18: {  	s8 =	sshrl.u32 s19, $0x3;
	[dreg:$0xf] =	wrdreg s15;
	s15 =	simm.s32 $0xE500  }
0x19: {  	s16 =	simm.s32 $0x400;
	s19 =	simm.s32 $0x12500;
	[dreg:$0x4] =	wrdreg s7  }
0x1a: {  	s7 =	sadd.s32 $0x8, s18;
	s21 =	sadd.s32 s8, s9;
	s8 =	sadd.s32 s22, s9  }
0x1b: {  	s9 =	simm.s32 $0x2500;
	s18 =	simm.s32 $0x480;
	s22 =	simm.s32 $0x2  }
0x1c: {  	[dreg:$0x5] =	wrdreg s7;
	s7 =	sadd.s32 $0x8, s21;
	s23 =	sadd.s32 $0x8, s8  }
0x1d: {  	s8 =	simm.s32 $0x500;
	s21 =	simm.s32 $0x40;
	[dreg:$0x6] =	wrdreg s7  }
0x1e: {  	[dreg:$0x7] =	wrdreg s23;
	s7 =	simm.s32 $0x3;
	s23 =	simm.s32 $0x0  }
.LBB2_1:
0x1f: {  	s24 =	rddreg [dreg:$0x9]  }
0x20: {  	[tilespmem:s1], [sflag:$0x3] =	stream.strided.gather [hbm4b:s5+s6], $0x500, s24, s6, $0x38;
	[tilespmem:$0x14500] =	vst v63  }
0x21: {  	_ =	swait.ge [sflag:s7], $0x500  }
0x22: {  	[sflag:s7] =	ssyncset.done $0x0  }
0x23: {  	[sflag:s7] =	ssyncadd.s32 $0xFFFFFB00  }
0x24: {  	[tilespmem:s8], [sflag:$0x1] =	stream.indirect.gather [hbm4b:s3+s6], $0x40, s1, s6, $0xb8;
	[tilespmem:$0x14500] =	vst v63  }
0x25: {  	_ = 	snop  }
0x26: {  	[tilespmem:s9], [sflag:$0x1] =	stream.indirect.gather [hbm4b:s3+s6], $0x40, s6, s6, $0xb8;
	[tilespmem:$0x14500] =	vst v63  }
0x27: {  	s26 =	rddreg [dreg:$0xa]  }
0x28: {  	[tilespmem:s10], [sflag:$0x1] =	stream.indirect.gather [hbm4b:s3+s6], $0x40, s26, s6, $0xb8;
	[tilespmem:$0x14500] =	vst v63  }
0x29: {  	s25 =	rddreg [dreg:$0xb]  }
0x2a: {  	[tilespmem:s11], [sflag:$0x1] =	stream.indirect.gather [hbm4b:s3+s6], $0x40, s25, s6, $0xb8;
	[tilespmem:$0x14500] =	vst v63  }
0x2b: {  	s28 =	rddreg [dreg:$0xc]  }
0x2c: {  	[tilespmem:s12], [sflag:$0x1] =	stream.indirect.gather [hbm4b:s3+s6], $0x40, s28, s6, $0xb8;
	[tilespmem:$0x14500] =	vst v63  }
0x2d: {  	s30 =	rddreg [dreg:$0xd]  }
0x2e: {  	[tilespmem:s13], [sflag:$0x1] =	stream.indirect.gather [hbm4b:s3+s6], $0x40, s30, s6, $0xb8;
	[tilespmem:$0x14500] =	vst v63  }
0x2f: {  	s31 =	rddreg [dreg:$0xe]  }
0x30: {  	[tilespmem:s14], [sflag:$0x1] =	stream.indirect.gather [hbm4b:s3+s6], $0x40, s31, s6, $0xb8;
	[tilespmem:$0x14500] =	vst v63  }
0x31: {  	s26 =	rddreg [dreg:$0xf]  }
0x32: {  	[tilespmem:s15], [sflag:$0x1] =	stream.indirect.gather [hbm4b:s3+s6], $0x40, s26, s6, $0xb8;
	[tilespmem:$0x14500] =	vst v63  }
0x33: {  	_ = 	snop  }
0x34: {  	[tilespmem:s17], [sflag:$0x1] =	stream.indirect.gather [hbm4b:s3+s6], $0x40, s16, s6, $0xb8;
	[tilespmem:$0x14500] =	vst v63  }
0x35: {  	_ = 	snop  }
0x36: {  	[tilespmem:s19], [sflag:$0x1] =	stream.indirect.gather [hbm4b:s3+s6], $0x40, s18, s6, $0xb8;
	[tilespmem:$0x14500] =	vst v63  }
0x37: {  	_ =	swait.ge [sflag:s20], $0x2000  }
0x38: {  	[sflag:s20] =	ssyncset.done $0x0  }
0x39: {  	[sflag:s20] =	ssyncadd.s32 $0xFFFFE000  }
0x3a: {  	_ =	swait.ge [sflag:s20], $0x2000  }
0x3b: {  	[sflag:s20] =	ssyncset.done $0x0  }
0x3c: {  	[sflag:s20] =	ssyncadd.s32 $0xFFFFE000  }
0x3d: {  	_ =	swait.ge [sflag:s20], $0x2000  }
0x3e: {  	[sflag:s20] =	ssyncset.done $0x0  }
0x3f: {  	[sflag:s20] =	ssyncadd.s32 $0xFFFFE000  }
0x40: {  	_ =	swait.ge [sflag:s20], $0x2000  }
0x41: {  	[sflag:s20] =	ssyncset.done $0x0  }
0x42: {  	[sflag:s20] =	ssyncadd.s32 $0xFFFFE000  }
0x43: {  	_ =	swait.ge [sflag:s20], $0x2000  }
0x44: {  	[sflag:s20] =	ssyncset.done $0x0  }
0x45: {  	[sflag:s20] =	ssyncadd.s32 $0xFFFFE000  }
0x46: {  	_ =	swait.ge [sflag:s20], $0x2000  }
0x47: {  	[sflag:s20] =	ssyncset.done $0x0  }
0x48: {  	[sflag:s20] =	ssyncadd.s32 $0xFFFFE000  }
0x49: {  	_ =	swait.ge [sflag:s20], $0x2000  }
0x4a: {  	[sflag:s20] =	ssyncset.done $0x0  }
0x4b: {  	[sflag:s20] =	ssyncadd.s32 $0xFFFFE000  }
0x4c: {  	_ =	swait.ge [sflag:s20], $0x2000  }
0x4d: {  	[sflag:s20] =	ssyncset.done $0x0  }
0x4e: {  	[sflag:s20] =	ssyncadd.s32 $0xFFFFE000  }
0x4f: {  	_ =	swait.ge [sflag:s20], $0x2000  }
0x50: {  	[sflag:s20] =	ssyncset.done $0x0  }
0x51: {  	[sflag:s20] =	ssyncadd.s32 $0xFFFFE000  }
0x52: {  	_ =	swait.ge [sflag:s20], $0x2000  }
0x53: {  	s28 =	rddreg [dreg:$0x3];
	[sflag:s20] =	ssyncset.done $0x0  }
0x54: {  	s30 =	rddreg [dreg:$0x8];
	[sflag:s20] =	ssyncadd.s32 $0xFFFFE000;
	s24 =	sadd.s32 $0x0, s28  }
0x55: {  	[hbm4b:s24+s21] =	stream.strided.scatter [tilespmem:s8], [sflag:$0x2], $0x2000, s6, s21, $0x38;
	[tilespmem:$0x14500] =	vst v63  }
0x56: {  	s25 =	sadd.s32 $0x0, s30  }
0x57: {  	[hbm4b:s25+s21] =	stream.strided.scatter [tilespmem:s9], [sflag:$0x2], $0x2000, s6, s21, $0x38;
	[tilespmem:$0x14500] =	vst v63  }
0x58: {  	s26 =	rddreg [dreg:$0x7];
	s31 =	sadd.s32 $0x10000, s24  }
0x59: {  	[hbm4b:s31+s21] =	stream.strided.scatter [tilespmem:s10], [sflag:$0x2], $0x2000, s6, s21, $0x38;
	[tilespmem:$0x14500] =	vst v63  }
0x5a: {  	s28 =	sadd.s32 $0x0, s26  }
0x5b: {  	[hbm4b:s28+s21] =	stream.strided.scatter [tilespmem:s11], [sflag:$0x2], $0x2000, s6, s21, $0x38;
	[tilespmem:$0x14500] =	vst v63  }
0x5c: {  	s30 =	rddreg [dreg:$0x6];
	s31 =	sadd.s32 $0x20000, s24  }
0x5d: {  	[hbm4b:s31+s21] =	stream.strided.scatter [tilespmem:s12], [sflag:$0x2], $0x2000, s6, s21, $0x38;
	[tilespmem:$0x14500] =	vst v63  }
0x5e: {  	s28 =	sadd.s32 $0x0, s30  }
0x5f: {  	[hbm4b:s28+s21] =	stream.strided.scatter [tilespmem:s13], [sflag:$0x2], $0x2000, s6, s21, $0x38;
	[tilespmem:$0x14500] =	vst v63  }
0x60: {  	s30 =	rddreg [dreg:$0x5];
	s31 =	sadd.s32 $0x30000, s24  }
0x61: {  	[hbm4b:s31+s21] =	stream.strided.scatter [tilespmem:s14], [sflag:$0x2], $0x2000, s6, s21, $0x38;
	[tilespmem:$0x14500] =	vst v63  }
0x62: {  	s28 =	sadd.s32 $0x0, s30  }
0x63: {  	[hbm4b:s28+s21] =	stream.strided.scatter [tilespmem:s15], [sflag:$0x2], $0x2000, s6, s21, $0x38;
	[tilespmem:$0x14500] =	vst v63  }
0x64: {  	s24 =	sadd.s32 $0x40000, s24;
	s30 =	rddreg [dreg:$0x4]  }
0x65: {  	[hbm4b:s24+s21] =	stream.strided.scatter [tilespmem:s17], [sflag:$0x2], $0x2000, s6, s21, $0x38;
	[tilespmem:$0x14500] =	vst v63  }
0x66: {  	s31 =	sadd.s32 $0x0, s30  }
0x67: {  	[hbm4b:s31+s21] =	stream.strided.scatter [tilespmem:s19], [sflag:$0x2], $0x2000, s6, s21, $0x38;
	[tilespmem:$0x14500] =	vst v63  }
0x68: {  	_ =	swait.ge [sflag:s22], $0x2000  }
0x69: {  	[sflag:s22] =	ssyncset.done $0x0  }
0x6a: {  	[sflag:s22] =	ssyncadd.s32 $0xFFFFE000  }
0x6b: {  	_ =	swait.ge [sflag:s22], $0x2000  }
0x6c: {  	[sflag:s22] =	ssyncset.done $0x0  }
0x6d: {  	[sflag:s22] =	ssyncadd.s32 $0xFFFFE000  }
0x6e: {  	_ =	swait.ge [sflag:s22], $0x2000  }
0x6f: {  	[sflag:s22] =	ssyncset.done $0x0  }
0x70: {  	[sflag:s22] =	ssyncadd.s32 $0xFFFFE000  }
0x71: {  	_ =	swait.ge [sflag:s22], $0x2000  }
0x72: {  	[sflag:s22] =	ssyncset.done $0x0  }
0x73: {  	[sflag:s22] =	ssyncadd.s32 $0xFFFFE000  }
0x74: {  	_ =	swait.ge [sflag:s22], $0x2000  }
0x75: {  	[sflag:s22] =	ssyncset.done $0x0  }
0x76: {  	[sflag:s22] =	ssyncadd.s32 $0xFFFFE000  }
0x77: {  	_ =	swait.ge [sflag:s22], $0x2000  }
0x78: {  	[sflag:s22] =	ssyncset.done $0x0  }
0x79: {  	[sflag:s22] =	ssyncadd.s32 $0xFFFFE000  }
0x7a: {  	_ =	swait.ge [sflag:s22], $0x2000  }
0x7b: {  	[sflag:s22] =	ssyncset.done $0x0  }
0x7c: {  	[sflag:s22] =	ssyncadd.s32 $0xFFFFE000  }
0x7d: {  	_ =	swait.ge [sflag:s22], $0x2000  }
0x7e: {  	[sflag:s22] =	ssyncset.done $0x0  }
0x7f: {  	[sflag:s22] =	ssyncadd.s32 $0xFFFFE000  }
0x80: {  	_ =	swait.ge [sflag:s22], $0x2000  }
0x81: {  	[sflag:s22] =	ssyncset.done $0x0  }
0x82: {  	[sflag:s22] =	ssyncadd.s32 $0xFFFFE000  }
0x83: {  	s26 =	smov.u32 s5;
	s25 =	simm.s32 $0xA0000;
	_ =	swait.ge [sflag:s22], $0x2000  }
0x84: {  	s24 =	simm.s32 $0x50000;
	s29 =	rddreg [dreg:$0x9];
	[sflag:s22] =	ssyncset.done $0x0  }
.LBB2_2:
0x85: {  	[sflag:s22] =	ssyncadd.s32 $0xFFFFE000;
	s26 =	sadd.s32 $0x1400, s26  }
0x86: {  	[tilespmem:s1], [sflag:$0x3] =	stream.strided.gather [hbm4b:s26+s6], $0x500, s29, s6, $0x38;
	[tilespmem:$0x14500] =	vst v63  }
0x87: {  	_ =	swait.ge [sflag:s7], $0x500  }
0x88: {  	[sflag:s7] =	ssyncset.done $0x0  }
0x89: {  	[sflag:s7] =	ssyncadd.s32 $0xFFFFFB00  }
0x8a: {  	[tilespmem:s8], [sflag:$0x1] =	stream.indirect.gather [hbm4b:s3+s6], $0x40, s1, s6, $0xb8;
	[tilespmem:$0x14500] =	vst v63  }
0x8b: {  	_ = 	snop  }
0x8c: {  	[tilespmem:s9], [sflag:$0x1] =	stream.indirect.gather [hbm4b:s3+s6], $0x40, s6, s6, $0xb8;
	[tilespmem:$0x14500] =	vst v63  }
0x8d: {  	s29 =	rddreg [dreg:$0xa]  }
0x8e: {  	[tilespmem:s10], [sflag:$0x1] =	stream.indirect.gather [hbm4b:s3+s6], $0x40, s29, s6, $0xb8;
	[tilespmem:$0x14500] =	vst v63  }
0x8f: {  	s30 =	rddreg [dreg:$0xb]  }
0x90: {  	[tilespmem:s11], [sflag:$0x1] =	stream.indirect.gather [hbm4b:s3+s6], $0x40, s30, s6, $0xb8;
	[tilespmem:$0x14500] =	vst v63  }
0x91: {  	s29 =	rddreg [dreg:$0xc]  }
0x92: {  	[tilespmem:s12], [sflag:$0x1] =	stream.indirect.gather [hbm4b:s3+s6], $0x40, s29, s6, $0xb8;
	[tilespmem:$0x14500] =	vst v63  }
0x93: {  	s31 =	rddreg [dreg:$0xd]  }
0x94: {  	[tilespmem:s13], [sflag:$0x1] =	stream.indirect.gather [hbm4b:s3+s6], $0x40, s31, s6, $0xb8;
	[tilespmem:$0x14500] =	vst v63  }
0x95: {  	s29 =	rddreg [dreg:$0xe]  }
0x96: {  	[tilespmem:s14], [sflag:$0x1] =	stream.indirect.gather [hbm4b:s3+s6], $0x40, s29, s6, $0xb8;
	[tilespmem:$0x14500] =	vst v63  }
0x97: {  	s31 =	rddreg [dreg:$0xf]  }
0x98: {  	[tilespmem:s15], [sflag:$0x1] =	stream.indirect.gather [hbm4b:s3+s6], $0x40, s31, s6, $0xb8;
	[tilespmem:$0x14500] =	vst v63  }
0x99: {  	_ = 	snop  }
0x9a: {  	[tilespmem:s17], [sflag:$0x1] =	stream.indirect.gather [hbm4b:s3+s6], $0x40, s16, s6, $0xb8;
	[tilespmem:$0x14500] =	vst v63  }
0x9b: {  	_ = 	snop  }
0x9c: {  	[tilespmem:s19], [sflag:$0x1] =	stream.indirect.gather [hbm4b:s3+s6], $0x40, s18, s6, $0xb8;
	[tilespmem:$0x14500] =	vst v63  }
0x9d: {  	_ =	swait.ge [sflag:s20], $0x2000  }
0x9e: {  	[sflag:s20] =	ssyncset.done $0x0  }
0x9f: {  	[sflag:s20] =	ssyncadd.s32 $0xFFFFE000  }
0xa0: {  	_ =	swait.ge [sflag:s20], $0x2000  }
0xa1: {  	[sflag:s20] =	ssyncset.done $0x0  }
0xa2: {  	[sflag:s20] =	ssyncadd.s32 $0xFFFFE000  }
0xa3: {  	_ =	swait.ge [sflag:s20], $0x2000  }
0xa4: {  	[sflag:s20] =	ssyncset.done $0x0  }
0xa5: {  	[sflag:s20] =	ssyncadd.s32 $0xFFFFE000  }
0xa6: {  	_ =	swait.ge [sflag:s20], $0x2000  }
0xa7: {  	[sflag:s20] =	ssyncset.done $0x0  }
0xa8: {  	[sflag:s20] =	ssyncadd.s32 $0xFFFFE000  }
0xa9: {  	_ =	swait.ge [sflag:s20], $0x2000  }
0xaa: {  	[sflag:s20] =	ssyncset.done $0x0  }
0xab: {  	[sflag:s20] =	ssyncadd.s32 $0xFFFFE000  }
0xac: {  	_ =	swait.ge [sflag:s20], $0x2000  }
0xad: {  	[sflag:s20] =	ssyncset.done $0x0  }
0xae: {  	[sflag:s20] =	ssyncadd.s32 $0xFFFFE000  }
0xaf: {  	_ =	swait.ge [sflag:s20], $0x2000  }
0xb0: {  	[sflag:s20] =	ssyncset.done $0x0  }
0xb1: {  	[sflag:s20] =	ssyncadd.s32 $0xFFFFE000  }
0xb2: {  	_ =	swait.ge [sflag:s20], $0x2000  }
0xb3: {  	[sflag:s20] =	ssyncset.done $0x0  }
0xb4: {  	[sflag:s20] =	ssyncadd.s32 $0xFFFFE000  }
0xb5: {  	_ =	swait.ge [sflag:s20], $0x2000  }
0xb6: {  	[sflag:s20] =	ssyncset.done $0x0  }
0xb7: {  	[sflag:s20] =	ssyncadd.s32 $0xFFFFE000  }
0xb8: {  	_ =	swait.ge [sflag:s20], $0x2000  }
0xb9: {  	s29 =	rddreg [dreg:$0x3];
	[sflag:s20] =	ssyncset.done $0x0  }
0xba: {  	s31 =	rddreg [dreg:$0x8];
	[sflag:s20] =	ssyncadd.s32 $0xFFFFE000;
	s29 =	sadd.s32 s24, s29  }
0xbb: {  	[hbm4b:s29+s21] =	stream.strided.scatter [tilespmem:s8], [sflag:$0x2], $0x2000, s6, s21, $0x38;
	[tilespmem:$0x14500] =	vst v63  }
0xbc: {  	s30 =	sadd.s32 s24, s31  }
0xbd: {  	[hbm4b:s30+s21] =	stream.strided.scatter [tilespmem:s9], [sflag:$0x2], $0x2000, s6, s21, $0x38;
	[tilespmem:$0x14500] =	vst v63  }
0xbe: {  	s31 =	rddreg [dreg:$0x7];
	s30 =	sadd.s32 $0x10000, s29  }
0xbf: {  	[hbm4b:s30+s21] =	stream.strided.scatter [tilespmem:s10], [sflag:$0x2], $0x2000, s6, s21, $0x38;
	[tilespmem:$0x14500] =	vst v63  }
0xc0: {  	s30 =	sadd.s32 s24, s31  }
0xc1: {  	[hbm4b:s30+s21] =	stream.strided.scatter [tilespmem:s11], [sflag:$0x2], $0x2000, s6, s21, $0x38;
	[tilespmem:$0x14500] =	vst v63  }
0xc2: {  	s31 =	rddreg [dreg:$0x6];
	s30 =	sadd.s32 $0x20000, s29  }
0xc3: {  	[hbm4b:s30+s21] =	stream.strided.scatter [tilespmem:s12], [sflag:$0x2], $0x2000, s6, s21, $0x38;
	[tilespmem:$0x14500] =	vst v63  }
0xc4: {  	s30 =	sadd.s32 s24, s31  }
0xc5: {  	[hbm4b:s30+s21] =	stream.strided.scatter [tilespmem:s13], [sflag:$0x2], $0x2000, s6, s21, $0x38;
	[tilespmem:$0x14500] =	vst v63  }
0xc6: {  	s31 =	rddreg [dreg:$0x5];
	s30 =	sadd.s32 $0x30000, s29  }
0xc7: {  	[hbm4b:s30+s21] =	stream.strided.scatter [tilespmem:s14], [sflag:$0x2], $0x2000, s6, s21, $0x38;
	[tilespmem:$0x14500] =	vst v63  }
0xc8: {  	s30 =	sadd.s32 s24, s31  }
0xc9: {  	[hbm4b:s30+s21] =	stream.strided.scatter [tilespmem:s15], [sflag:$0x2], $0x2000, s6, s21, $0x38;
	[tilespmem:$0x14500] =	vst v63  }
0xca: {  	s29 =	sadd.s32 $0x40000, s29;
	s31 =	rddreg [dreg:$0x4]  }
0xcb: {  	[hbm4b:s29+s21] =	stream.strided.scatter [tilespmem:s17], [sflag:$0x2], $0x2000, s6, s21, $0x38;
	[tilespmem:$0x14500] =	vst v63  }
0xcc: {  	s29 =	sadd.s32 s24, s31  }
0xcd: {  	[hbm4b:s29+s21] =	stream.strided.scatter [tilespmem:s19], [sflag:$0x2], $0x2000, s6, s21, $0x38;
	[tilespmem:$0x14500] =	vst v63  }
0xce: {  	_ =	swait.ge [sflag:s22], $0x2000  }
0xcf: {  	[sflag:s22] =	ssyncset.done $0x0  }
0xd0: {  	[sflag:s22] =	ssyncadd.s32 $0xFFFFE000  }
0xd1: {  	_ =	swait.ge [sflag:s22], $0x2000  }
0xd2: {  	[sflag:s22] =	ssyncset.done $0x0  }
0xd3: {  	[sflag:s22] =	ssyncadd.s32 $0xFFFFE000  }
0xd4: {  	_ =	swait.ge [sflag:s22], $0x2000  }
0xd5: {  	[sflag:s22] =	ssyncset.done $0x0  }
0xd6: {  	[sflag:s22] =	ssyncadd.s32 $0xFFFFE000  }
0xd7: {  	_ =	swait.ge [sflag:s22], $0x2000  }
0xd8: {  	[sflag:s22] =	ssyncset.done $0x0  }
0xd9: {  	[sflag:s22] =	ssyncadd.s32 $0xFFFFE000  }
0xda: {  	_ =	swait.ge [sflag:s22], $0x2000  }
0xdb: {  	[sflag:s22] =	ssyncset.done $0x0  }
0xdc: {  	[sflag:s22] =	ssyncadd.s32 $0xFFFFE000  }
0xdd: {  	_ =	swait.ge [sflag:s22], $0x2000  }
0xde: {  	[sflag:s22] =	ssyncset.done $0x0  }
0xdf: {  	[sflag:s22] =	ssyncadd.s32 $0xFFFFE000  }
0xe0: {  	_ =	swait.ge [sflag:s22], $0x2000  }
0xe1: {  	[sflag:s22] =	ssyncset.done $0x0  }
0xe2: {  	[sflag:s22] =	ssyncadd.s32 $0xFFFFE000  }
0xe3: {  	_ =	swait.ge [sflag:s22], $0x2000  }
0xe4: {  	[sflag:s22] =	ssyncset.done $0x0  }
0xe5: {  	p0 =	sne.s32 s25, $0x140000;
	[sflag:s22] =	ssyncadd.s32 $0xFFFFE000  }
.Ltmp0:
0xe6: {  	_ =	swait.ge [sflag:s22], $0x2000;
	(pc) =	sbr.rel @p0 .LBB2_2-.Ltmp0, $4  }
0xe7: {  	[sflag:s22] =	ssyncset.done $0x0  }
0xe8: {  	[sflag:s22] =	ssyncadd.s32 $0xFFFFE000  }
0xe9: {  	s28 =	smov.u32 s25;
	s25 =	sadd.s32 $0x50000, s25;
	_ =	swait.ge [sflag:s22], $0x2000  }
0xea: {  	s24 =	smov.u32 s28;
	s29 =	rddreg [dreg:$0x9];
	[sflag:s22] =	ssyncset.done $0x0  }
0xeb: {  	[sflag:s22] =	ssyncadd.s32 $0xFFFFE000;
	s25 =	sadd.s32 $0x1400, s26  }
0xec: {  	[tilespmem:s1], [sflag:$0x3] =	stream.strided.gather [hbm4b:s25+s6], $0x500, s29, s6, $0x38;
	[tilespmem:$0x14500] =	vst v63  }
0xed: {  	_ =	swait.ge [sflag:s7], $0x500  }
0xee: {  	[sflag:s7] =	ssyncset.done $0x0  }
0xef: {  	[sflag:s7] =	ssyncadd.s32 $0xFFFFFB00  }
0xf0: {  	[tilespmem:s8], [sflag:$0x1] =	stream.indirect.gather [hbm4b:s3+s6], $0x40, s1, s6, $0xb8;
	[tilespmem:$0x14500] =	vst v63  }
0xf1: {  	_ = 	snop  }
0xf2: {  	[tilespmem:s9], [sflag:$0x1] =	stream.indirect.gather [hbm4b:s3+s6], $0x40, s6, s6, $0xb8;
	[tilespmem:$0x14500] =	vst v63  }
0xf3: {  	s26 =	rddreg [dreg:$0xa]  }
0xf4: {  	[tilespmem:s10], [sflag:$0x1] =	stream.indirect.gather [hbm4b:s3+s6], $0x40, s26, s6, $0xb8;
	[tilespmem:$0x14500] =	vst v63  }
0xf5: {  	s28 =	rddreg [dreg:$0xb]  }
0xf6: {  	[tilespmem:s11], [sflag:$0x1] =	stream.indirect.gather [hbm4b:s3+s6], $0x40, s28, s6, $0xb8;
	[tilespmem:$0x14500] =	vst v63  }
0xf7: {  	s29 =	rddreg [dreg:$0xc]  }
0xf8: {  	[tilespmem:s12], [sflag:$0x1] =	stream.indirect.gather [hbm4b:s3+s6], $0x40, s29, s6, $0xb8;
	[tilespmem:$0x14500] =	vst v63  }
0xf9: {  	s30 =	rddreg [dreg:$0xd]  }
0xfa: {  	[tilespmem:s13], [sflag:$0x1] =	stream.indirect.gather [hbm4b:s3+s6], $0x40, s30, s6, $0xb8;
	[tilespmem:$0x14500] =	vst v63  }
0xfb: {  	s31 =	rddreg [dreg:$0xe]  }
0xfc: {  	[tilespmem:s14], [sflag:$0x1] =	stream.indirect.gather [hbm4b:s3+s6], $0x40, s31, s6, $0xb8;
	[tilespmem:$0x14500] =	vst v63  }
0xfd: {  	s28 =	rddreg [dreg:$0xf]  }
0xfe: {  	[tilespmem:s15], [sflag:$0x1] =	stream.indirect.gather [hbm4b:s3+s6], $0x40, s28, s6, $0xb8;
	[tilespmem:$0x14500] =	vst v63  }
0xff: {  	_ = 	snop  }
0x100: {  	[tilespmem:s17], [sflag:$0x1] =	stream.indirect.gather [hbm4b:s3+s6], $0x40, s16, s6, $0xb8;
	[tilespmem:$0x14500] =	vst v63  }
0x101: {  	_ = 	snop  }
0x102: {  	[tilespmem:s19], [sflag:$0x1] =	stream.indirect.gather [hbm4b:s3+s6], $0x40, s18, s6, $0xb8;
	[tilespmem:$0x14500] =	vst v63  }
0x103: {  	_ =	swait.ge [sflag:s20], $0x2000  }
0x104: {  	[sflag:s20] =	ssyncset.done $0x0  }
0x105: {  	[sflag:s20] =	ssyncadd.s32 $0xFFFFE000  }
0x106: {  	_ =	swait.ge [sflag:s20], $0x2000  }
0x107: {  	[sflag:s20] =	ssyncset.done $0x0  }
0x108: {  	[sflag:s20] =	ssyncadd.s32 $0xFFFFE000  }
0x109: {  	_ =	swait.ge [sflag:s20], $0x2000  }
0x10a: {  	[sflag:s20] =	ssyncset.done $0x0  }
0x10b: {  	[sflag:s20] =	ssyncadd.s32 $0xFFFFE000  }
0x10c: {  	_ =	swait.ge [sflag:s20], $0x2000  }
0x10d: {  	[sflag:s20] =	ssyncset.done $0x0  }
0x10e: {  	[sflag:s20] =	ssyncadd.s32 $0xFFFFE000  }
0x10f: {  	_ =	swait.ge [sflag:s20], $0x2000  }
0x110: {  	[sflag:s20] =	ssyncset.done $0x0  }
0x111: {  	[sflag:s20] =	ssyncadd.s32 $0xFFFFE000  }
0x112: {  	_ =	swait.ge [sflag:s20], $0x2000  }
0x113: {  	[sflag:s20] =	ssyncset.done $0x0  }
0x114: {  	[sflag:s20] =	ssyncadd.s32 $0xFFFFE000  }
0x115: {  	_ =	swait.ge [sflag:s20], $0x2000  }
0x116: {  	[sflag:s20] =	ssyncset.done $0x0  }
0x117: {  	[sflag:s20] =	ssyncadd.s32 $0xFFFFE000  }
0x118: {  	_ =	swait.ge [sflag:s20], $0x2000  }
0x119: {  	[sflag:s20] =	ssyncset.done $0x0  }
0x11a: {  	[sflag:s20] =	ssyncadd.s32 $0xFFFFE000  }
0x11b: {  	_ =	swait.ge [sflag:s20], $0x2000  }
0x11c: {  	[sflag:s20] =	ssyncset.done $0x0  }
0x11d: {  	[sflag:s20] =	ssyncadd.s32 $0xFFFFE000  }
0x11e: {  	_ =	swait.ge [sflag:s20], $0x2000  }
0x11f: {  	s29 =	rddreg [dreg:$0x3];
	[sflag:s20] =	ssyncset.done $0x0  }
0x120: {  	s30 =	rddreg [dreg:$0x8];
	[sflag:s20] =	ssyncadd.s32 $0xFFFFE000;
	s25 =	sadd.s32 s24, s29  }
0x121: {  	[hbm4b:s25+s21] =	stream.strided.scatter [tilespmem:s8], [sflag:$0x2], $0x2000, s6, s21, $0x38;
	[tilespmem:$0x14500] =	vst v63  }
0x122: {  	s26 =	sadd.s32 s24, s30  }
0x123: {  	[hbm4b:s26+s21] =	stream.strided.scatter [tilespmem:s9], [sflag:$0x2], $0x2000, s6, s21, $0x38;
	[tilespmem:$0x14500] =	vst v63  }
0x124: {  	s28 =	rddreg [dreg:$0x7];
	s31 =	sadd.s32 $0x10000, s25  }
0x125: {  	[hbm4b:s31+s21] =	stream.strided.scatter [tilespmem:s10], [sflag:$0x2], $0x2000, s6, s21, $0x38;
	[tilespmem:$0x14500] =	vst v63  }
0x126: {  	s29 =	sadd.s32 s24, s28  }
0x127: {  	[hbm4b:s29+s21] =	stream.strided.scatter [tilespmem:s11], [sflag:$0x2], $0x2000, s6, s21, $0x38;
	[tilespmem:$0x14500] =	vst v63  }
0x128: {  	s30 =	rddreg [dreg:$0x6];
	s31 =	sadd.s32 $0x20000, s25  }
0x129: {  	[hbm4b:s31+s21] =	stream.strided.scatter [tilespmem:s12], [sflag:$0x2], $0x2000, s6, s21, $0x38;
	[tilespmem:$0x14500] =	vst v63  }
0x12a: {  	s29 =	sadd.s32 s24, s30  }
0x12b: {  	[hbm4b:s29+s21] =	stream.strided.scatter [tilespmem:s13], [sflag:$0x2], $0x2000, s6, s21, $0x38;
	[tilespmem:$0x14500] =	vst v63  }
0x12c: {  	s30 =	rddreg [dreg:$0x5];
	s31 =	sadd.s32 $0x30000, s25  }
0x12d: {  	[hbm4b:s31+s21] =	stream.strided.scatter [tilespmem:s14], [sflag:$0x2], $0x2000, s6, s21, $0x38;
	[tilespmem:$0x14500] =	vst v63  }
0x12e: {  	s29 =	sadd.s32 s24, s30  }
0x12f: {  	[hbm4b:s29+s21] =	stream.strided.scatter [tilespmem:s15], [sflag:$0x2], $0x2000, s6, s21, $0x38;
	[tilespmem:$0x14500] =	vst v63  }
0x130: {  	s25 =	sadd.s32 $0x40000, s25;
	s30 =	rddreg [dreg:$0x4]  }
0x131: {  	[hbm4b:s25+s21] =	stream.strided.scatter [tilespmem:s17], [sflag:$0x2], $0x2000, s6, s21, $0x38;
	[tilespmem:$0x14500] =	vst v63  }
0x132: {  	s31 =	sadd.s32 s24, s30  }
0x133: {  	[hbm4b:s31+s21] =	stream.strided.scatter [tilespmem:s19], [sflag:$0x2], $0x2000, s6, s21, $0x38;
	[tilespmem:$0x14500] =	vst v63  }
0x134: {  	_ =	swait.ge [sflag:s22], $0x2000  }
0x135: {  	[sflag:s22] =	ssyncset.done $0x0  }
0x136: {  	[sflag:s22] =	ssyncadd.s32 $0xFFFFE000  }
0x137: {  	_ =	swait.ge [sflag:s22], $0x2000  }
0x138: {  	[sflag:s22] =	ssyncset.done $0x0  }
0x139: {  	[sflag:s22] =	ssyncadd.s32 $0xFFFFE000  }
0x13a: {  	_ =	swait.ge [sflag:s22], $0x2000  }
0x13b: {  	[sflag:s22] =	ssyncset.done $0x0  }
0x13c: {  	[sflag:s22] =	ssyncadd.s32 $0xFFFFE000  }
0x13d: {  	_ =	swait.ge [sflag:s22], $0x2000  }
0x13e: {  	[sflag:s22] =	ssyncset.done $0x0  }
0x13f: {  	[sflag:s22] =	ssyncadd.s32 $0xFFFFE000  }
0x140: {  	_ =	swait.ge [sflag:s22], $0x2000  }
0x141: {  	[sflag:s22] =	ssyncset.done $0x0  }
0x142: {  	[sflag:s22] =	ssyncadd.s32 $0xFFFFE000  }
0x143: {  	_ =	swait.ge [sflag:s22], $0x2000  }
0x144: {  	[sflag:s22] =	ssyncset.done $0x0  }
0x145: {  	[sflag:s22] =	ssyncadd.s32 $0xFFFFE000  }
0x146: {  	_ =	swait.ge [sflag:s22], $0x2000  }
0x147: {  	[sflag:s22] =	ssyncset.done $0x0  }
0x148: {  	[sflag:s22] =	ssyncadd.s32 $0xFFFFE000  }
0x149: {  	_ =	swait.ge [sflag:s22], $0x2000  }
0x14a: {  	[sflag:s22] =	ssyncset.done $0x0  }
0x14b: {  	s23 =	sadd.s32 $0x1, s23;
	[sflag:s22] =	ssyncadd.s32 $0xFFFFE000  }
0x14c: {  	p0 =	sne.s32 s23, s4;
	_ =	swait.ge [sflag:s22], $0x2000  }
.Ltmp1:
0x14d: {  	[sflag:s22] =	ssyncset.done $0x0;
	(pc) =	sbr.rel @p0 .LBB2_1-.Ltmp1, $4  }
0x14e: {  	[sflag:s22] =	ssyncadd.s32 $0xFFFFE000  }
0x14f: {  	_ =	swait.ge [sflag:s22], $0x2000  }
0x150: {  	[sflag:s22] =	ssyncset.done $0x0  }
0x151: {  	[sflag:s22] =	ssyncadd.s32 $0xFFFFE000  }
0x152: {  	_ =	sfence.sel $0x180000  }
0x153: {  	[bflag:$0x0] =	sbarrier.arrive $0xFFFF  }
0x154: {  	p0 =	sne.s32 s2, $0x0;
	_ =	strace $0x90000047  }
0x155: {  	s0 =	sadd.s32 @!p0 $0x100000, s0;
	[bflag:$0x2] =	sbarrier.arrive $0xFFFF  }
0x156: {  	[sflag:s0] =	ssyncadd.tile.s32 @!p0 $0x1;
	_ =	shalt  }
.Lfunc_end2:
_tile_overlayer_lowered:
.L_overlay_start_2:
0x157: {  	(tag) =	ssettag $0x2  }
0x158: {  	s0 =	rddreg [dreg:$0x0];
	s2 =	stileid.u32  }
0x159: {  	s1 =	rddreg [dreg:$0x1];
	p0 =	sne.s32 s2, $0x0  }
0x15a: {  	s3 =	rddreg [dreg:$0x2];
	[bflag:$0x3] =	sbarrier.arrive $0xFFFF;
	s2 =	simm.s32 @!p0 $0x1C03  }
0x15b: {  	[timem:s3], [sflag:s2] =	dma.local @!p0 [hbm:s0], s1  }
0x15c: {  	s0 =	simm.s32 @!p0 $0x3  }
0x15d: {  	_ =	swait.ge @!p0 [sflag:s0], s1  }
0x15e: {  	s1 =	ssub.s32 @!p0 $0x0, s1;
	[sflag:s0] =	ssyncset.done @!p0 $0x0  }
0x15f: {  	[sflag:s0] =	ssyncadd.s32 @!p0 s1  }
0x160: {  	[bflag:$0x3] =	sbarrier.arrive $0xFFFF  }
0x161: {  	_ =	shalt  }

</sc_bundles>
